<compile_context>
chip_gen: v7x
topology: tpu7x:2x2x1
jax: 0.10.2.dev20260603
libtpu: 0.0.44.dev20260713+nightly
codegen_flags: <defaults>
</compile_context>

<pallas_src>
import jax
import jax.numpy as jnp
from jax import lax
from jax.experimental import pallas as pl
from jax.experimental.pallas import tpu as pltpu
from jax.experimental.pallas import tpu_sc as plsc

D0, D1, D2 = 4096, 4096, 64
R = 16
BATCH = 524288

NC, NS = 2, 16
NW = NC * NS
PER_W = BATCH // NW


def _body(ti_hbm, u0p_hbm, u1p_hbm, u2pr_hbm, out_hbm,
          u0p_v, u1p_v, u2pr_v, t_v, o_v, s_in):
    wid = lax.axis_index("s") * NC + lax.axis_index("c")
    base = wid * PER_W
    lanes = lax.iota(jnp.int32, 16)

    ins = [
        (u0p_hbm, u0p_v),
        (u1p_hbm, u1p_v),
        (u2pr_hbm, u2pr_v),
        (ti_hbm.at[pl.ds(base, PER_W)], t_v),
    ]
    for src, dst in ins:
        pltpu.make_async_copy(src, dst, s_in).start()
    for src, dst in ins:
        pltpu.make_async_copy(src, dst, s_in).wait()

    @plsc.parallel_loop(0, PER_W // 16, unroll=4)
    def grp(i):
        t = t_v[pl.ds(i * 16, 16)]
        a0 = t >> 18
        a1 = (t >> 6) & 4095
        a2 = ((t & 63) << 4) + lanes
        accs = [jnp.zeros((16,), jnp.float32) for _ in range(4)]
        for p in range(R // 2):
            v0 = plsc.load_gather(u0p_v.at[p], [a0])
            v1 = plsc.load_gather(u1p_v.at[p], [a1])
            v2 = plsc.load_gather(u2pr_v.at[p], [a2])
            w = plsc.bitcast(
                plsc.bitcast(v0, jnp.bfloat16)
                * plsc.bitcast(v1, jnp.bfloat16)
                * plsc.bitcast(v2, jnp.bfloat16),
                jnp.int32)
            pa = plsc.bitcast(w << 16, jnp.float32)
            pb = plsc.bitcast(w & -65536, jnp.float32)
            accs[(2 * p) % 4] = accs[(2 * p) % 4] + pa
            accs[(2 * p + 1) % 4] = accs[(2 * p + 1) % 4] + pb
        o_v[pl.ds(i * 16, 16)] = (accs[0] + accs[1]) + (accs[2] + accs[3])

    pltpu.sync_copy(o_v, out_hbm.at[pl.ds(base, PER_W)])


@jax.jit
def kernel(target_indices, U0, U1, U2):
    def pack(U):
        h = lax.bitcast_convert_type(U.astype(jnp.bfloat16), jnp.uint16)
        return lax.bitcast_convert_type(
            h[:, 0::2].astype(jnp.uint32)
            | (h[:, 1::2].astype(jnp.uint32) << 16),
            jnp.int32).T

    u0p = pack(U0)
    u1p = pack(U1)
    u2pr = jnp.broadcast_to(
        pack(U2)[:, :, None], (R // 2, D2, 16)).reshape(R // 2, D2 * 16)

    mesh = plsc.VectorSubcoreMesh(core_axis_name="c", subcore_axis_name="s")
    f = pl.kernel(
        _body,
        out_type=jax.ShapeDtypeStruct((BATCH,), jnp.float32),
        mesh=mesh,
        scratch_types=[
            pltpu.VMEM((R // 2, D0), jnp.int32),
            pltpu.VMEM((R // 2, D1), jnp.int32),
            pltpu.VMEM((R // 2, D2 * 16), jnp.int32),
            pltpu.VMEM((PER_W,), jnp.int32),
            pltpu.VMEM((PER_W,), jnp.float32),
            pltpu.SemaphoreType.DMA,
        ],
        compiler_params=pltpu.CompilerParams(
            needs_layout_passes=False, use_tc_tiling_on_sc=False,
            disable_bounds_checks=True,
        ),
    )
    return f(target_indices, u0p, u1p, u2pr)

# --- scband reference (transcript-rebuilt; emitter-appended) ---
"""Pipeline reference for scband-trainer-50087908606685 (READ-ONLY COPY).

The authoritative reference and input builder live on the scoring server;
editing this copy changes nothing except your own understanding.
"""

import jax, jax.numpy as jnp
import numpy as np

DIMS = (4096, 4096, 64)
R = 16
BATCH = 524288
ORDER = 3


def _offsets():
    off = [1] * (ORDER + 1)
    for i in range(ORDER - 1, -1, -1):
        off[i] = off[i + 1] * DIMS[i]
    return off


def setup_inputs(seed: int = 0) -> dict:
    key = jax.random.key(seed)
    k1, k2, k3, k4 = jax.random.split(key, 4)
    total = DIMS[0] * DIMS[1] * DIMS[2]  # 2**30
    target_indices = jax.random.randint(k1, (BATCH,), 0, total)
    U0 = jax.random.normal(k2, (DIMS[0], R), dtype=jnp.float32) * 0.1
    U1 = jax.random.normal(k3, (DIMS[1], R), dtype=jnp.float32) * 0.1
    U2 = jax.random.normal(k4, (DIMS[2], R), dtype=jnp.float32) * 0.1
    return {"target_indices": target_indices, "U0": U0, "U1": U1, "U2": U2}


def reference(target_indices, U0, U1, U2):
    # Mirrors Trainer.handle_model index decomposition:
    # idxs[j] = target_indices % offset[j] // offset[j+1]
    off = _offsets()
    idx0 = (target_indices % off[0]) // off[1]
    idx1 = (target_indices % off[1]) // off[2]
    idx2 = (target_indices % off[2]) // off[3]
    # CP-style reconstruction: per-mode embedding gather, elementwise
    # product across modes, reduce over the num_feats (R) axis.
    e0 = jnp.take(U0, idx0, axis=0)
    e1 = jnp.take(U1, idx1, axis=0)
    e2 = jnp.take(U2, idx2, axis=0)
    vals = jnp.sum(e0 * e1 * e2, axis=-1)
    return vals

if __name__ == "__main__":
    import jax
    _d = setup_inputs()
    print(jax.jit(kernel)(*tuple(_d.values())))

</pallas_src>

<mosaic_0001>
#map = affine_map<(d0, d1) -> (0)>
#map1 = affine_map<(d0, d1) -> (0, 0)>
module attributes {stable_mosaic.version = 14 : i64} {
  func.func @_body(%arg0: i32, %arg1: i32, %arg2: memref<524288xi32, #tpu.memory_space<hbm>>, %arg3: memref<8x4096xi32, #tpu.memory_space<hbm>>, %arg4: memref<8x4096xi32, #tpu.memory_space<hbm>>, %arg5: memref<8x1024xi32, #tpu.memory_space<hbm>>, %arg6: memref<524288xf32, #tpu.memory_space<hbm>>, %arg7: memref<8x4096xi32, #tpu.memory_space<vmem>>, %arg8: memref<8x4096xi32, #tpu.memory_space<vmem>>, %arg9: memref<8x1024xi32, #tpu.memory_space<vmem>>, %arg10: memref<16384xi32, #tpu.memory_space<vmem>>, %arg11: memref<16384xf32, #tpu.memory_space<vmem>>, %arg12: memref<!tpu.dma_semaphore, #tpu.memory_space<semaphore_mem>>) attributes {dimension_semantics = [#tpu.dimension_semantics<core_parallel>, #tpu.dimension_semantics<subcore_parallel>], iteration_bounds = array<i64: 2, 16>, scalar_prefetch = 0 : i64, scratch_operands = 6 : i64, tpu.core_type = #tpu.core_type<sc_vector_subcore>, window_params = [{transform_indices = #map}, {transform_indices = #map1}, {transform_indices = #map1}, {transform_indices = #map1}, {transform_indices = #map}]} {
    %mul3A = arith.constant 2 : i32
    %mul3A_0 = arith.muli %arg1, %mul3A : i32
    %add3A = arith.addi %mul3A_0, %arg0 : i32
    %mul3A_1 = arith.constant 16384 : i32
    %mul3A_2 = arith.muli %add3A, %mul3A_1 : i32
    %iota3A = tpu.iota {dimensions = array<i32: 0>} : vector<16xi32>
    tpu.enqueue_dma source(%arg3 : memref<8x4096xi32, #tpu.memory_space<hbm>>) target(%arg7 : memref<8x4096xi32, #tpu.memory_space<vmem>>) target_semaphore(%arg12 : memref<!tpu.dma_semaphore, #tpu.memory_space<semaphore_mem>>)
    tpu.enqueue_dma source(%arg4 : memref<8x4096xi32, #tpu.memory_space<hbm>>) target(%arg8 : memref<8x4096xi32, #tpu.memory_space<vmem>>) target_semaphore(%arg12 : memref<!tpu.dma_semaphore, #tpu.memory_space<semaphore_mem>>)
    tpu.enqueue_dma source(%arg5 : memref<8x1024xi32, #tpu.memory_space<hbm>>) target(%arg9 : memref<8x1024xi32, #tpu.memory_space<vmem>>) target_semaphore(%arg12 : memref<!tpu.dma_semaphore, #tpu.memory_space<semaphore_mem>>)
    %dma_start3A = tpu.memref_slice %arg2[%mul3A_2] : memref<524288xi32, #tpu.memory_space<hbm>> -> memref<16384xi32, #tpu.memory_space<hbm>>
    %dma_start3A_3 = tpu.memref_slice %arg2[%mul3A_2] : memref<524288xi32, #tpu.memory_space<hbm>> -> memref<16384xi32, #tpu.memory_space<hbm>>
    tpu.enqueue_dma source(%dma_start3A_3 : memref<16384xi32, #tpu.memory_space<hbm>>) target(%arg10 : memref<16384xi32, #tpu.memory_space<vmem>>) target_semaphore(%arg12 : memref<!tpu.dma_semaphore, #tpu.memory_space<semaphore_mem>>)
    tpu.wait_dma2 semaphore(%arg12 : memref<!tpu.dma_semaphore, #tpu.memory_space<semaphore_mem>>) src(%arg3 : memref<8x4096xi32, #tpu.memory_space<hbm>>) dst(%arg7 : memref<8x4096xi32, #tpu.memory_space<vmem>>)
    tpu.wait_dma2 semaphore(%arg12 : memref<!tpu.dma_semaphore, #tpu.memory_space<semaphore_mem>>) src(%arg4 : memref<8x4096xi32, #tpu.memory_space<hbm>>) dst(%arg8 : memref<8x4096xi32, #tpu.memory_space<vmem>>)
    tpu.wait_dma2 semaphore(%arg12 : memref<!tpu.dma_semaphore, #tpu.memory_space<semaphore_mem>>) src(%arg5 : memref<8x1024xi32, #tpu.memory_space<hbm>>) dst(%arg9 : memref<8x1024xi32, #tpu.memory_space<vmem>>)
    %dma_wait3A = tpu.memref_slice %arg2[%mul3A_2] : memref<524288xi32, #tpu.memory_space<hbm>> -> memref<16384xi32, #tpu.memory_space<hbm>>
    %dma_wait3A_4 = tpu.memref_slice %arg2[%mul3A_2] : memref<524288xi32, #tpu.memory_space<hbm>> -> memref<16384xi32, #tpu.memory_space<hbm>>
    tpu.wait_dma2 semaphore(%arg12 : memref<!tpu.dma_semaphore, #tpu.memory_space<semaphore_mem>>) src(%dma_wait3A_4 : memref<16384xi32, #tpu.memory_space<hbm>>) dst(%arg10 : memref<16384xi32, #tpu.memory_space<vmem>>)
    %parallel_loop3A = arith.constant 0 : i32
    %parallel_loop3A_5 = arith.constant 1024 : i32
    %parallel_loop3A_6 = arith.constant 1 : i32
    scf.for %parallel_loop3A_7 = %parallel_loop3A to %parallel_loop3A_5 step %parallel_loop3A_6  : i32 {
      %parallel_loop3A_8 = arith.constant 16 : i32
      %parallel_loop3A_9 = arith.muli %parallel_loop3A_7, %parallel_loop3A_8 : i32
      %parallel_loop3A_10 = arith.index_cast %parallel_loop3A_9 : i32 to index
      %parallel_loop3A_11 = tpu.vector_load %arg10[%parallel_loop3A_10] {strides = array<i32>} : memref<16384xi32, #tpu.memory_space<vmem>>, vector<16xi32>,
      %parallel_loop3A_12 = arith.constant 18 : i32
      %parallel_loop3A_13 = vector.broadcast %parallel_loop3A_12 : i32 to vector<16xi32>
      %parallel_loop3A_14 = arith.shrsi %parallel_loop3A_11, %parallel_loop3A_13 : vector<16xi32>
      %parallel_loop3A_15 = arith.constant 6 : i32
      %parallel_loop3A_16 = vector.broadcast %parallel_loop3A_15 : i32 to vector<16xi32>
      %parallel_loop3A_17 = arith.shrsi %parallel_loop3A_11, %parallel_loop3A_16 : vector<16xi32>
      %parallel_loop3A_18 = arith.constant 4095 : i32
      %parallel_loop3A_19 = vector.broadcast %parallel_loop3A_18 : i32 to vector<16xi32>
      %parallel_loop3A_20 = arith.andi %parallel_loop3A_17, %parallel_loop3A_19 : vector<16xi32>
      %parallel_loop3A_21 = arith.constant 63 : i32
      %parallel_loop3A_22 = vector.broadcast %parallel_loop3A_21 : i32 to vector<16xi32>
      %parallel_loop3A_23 = arith.andi %parallel_loop3A_11, %parallel_loop3A_22 : vector<16xi32>
      %parallel_loop3A_24 = arith.constant 4 : i32
      %parallel_loop3A_25 = vector.broadcast %parallel_loop3A_24 : i32 to vector<16xi32>
      %parallel_loop3A_26 = arith.shli %parallel_loop3A_23, %parallel_loop3A_25 : vector<16xi32>
      %parallel_loop3A_27 = arith.addi %parallel_loop3A_26, %iota3A : vector<16xi32>
      %parallel_loop3A_28 = arith.constant 0.000000e+00 : f32
      %parallel_loop3A_29 = vector.broadcast %parallel_loop3A_28 : f32 to vector<16xf32>
      %parallel_loop3A_30 = arith.constant 0.000000e+00 : f32
      %parallel_loop3A_31 = vector.broadcast %parallel_loop3A_30 : f32 to vector<16xf32>
      %parallel_loop3A_32 = arith.constant 0.000000e+00 : f32
      %parallel_loop3A_33 = vector.broadcast %parallel_loop3A_32 : f32 to vector<16xf32>
      %parallel_loop3A_34 = arith.constant 0.000000e+00 : f32
      %parallel_loop3A_35 = vector.broadcast %parallel_loop3A_34 : f32 to vector<16xf32>
      %parallel_loop3A_36 = arith.constant 0 : i32
      %parallel_loop3A_37 = arith.constant 0 : i32
      %parallel_loop3A_38 = tpu.memref_slice %arg7[%parallel_loop3A_36, %parallel_loop3A_37] : memref<8x4096xi32, #tpu.memory_space<vmem>> -> memref<1x4096xi32, #tpu.memory_space<vmem>>
      %parallel_loop3A_39 = tpu.memref_squeeze %parallel_loop3A_38 : memref<1x4096xi32, #tpu.memory_space<vmem>> -> memref<4096xi32, #tpu.memory_space<vmem>>
      %parallel_loop3A_40 = tpu.vector_load_idx %parallel_loop3A_39[%parallel_loop3A_14] : memref<4096xi32, #tpu.memory_space<vmem>>[vector<16xi32>], vector<16xi32>,
      %parallel_loop3A_41 = arith.constant 0 : i32
      %parallel_loop3A_42 = arith.constant 0 : i32
      %parallel_loop3A_43 = tpu.memref_slice %arg8[%parallel_loop3A_41, %parallel_loop3A_42] : memref<8x4096xi32, #tpu.memory_space<vmem>> -> memref<1x4096xi32, #tpu.memory_space<vmem>>
      %parallel_loop3A_44 = tpu.memref_squeeze %parallel_loop3A_43 : memref<1x4096xi32, #tpu.memory_space<vmem>> -> memref<4096xi32, #tpu.memory_space<vmem>>
      %parallel_loop3A_45 = tpu.vector_load_idx %parallel_loop3A_44[%parallel_loop3A_20] : memref<4096xi32, #tpu.memory_space<vmem>>[vector<16xi32>], vector<16xi32>,
      %parallel_loop3A_46 = arith.constant 0 : i32
      %parallel_loop3A_47 = arith.constant 0 : i32
      %parallel_loop3A_48 = tpu.memref_slice %arg9[%parallel_loop3A_46, %parallel_loop3A_47] : memref<8x1024xi32, #tpu.memory_space<vmem>> -> memref<1x1024xi32, #tpu.memory_space<vmem>>
      %parallel_loop3A_49 = tpu.memref_squeeze %parallel_loop3A_48 : memref<1x1024xi32, #tpu.memory_space<vmem>> -> memref<1024xi32, #tpu.memory_space<vmem>>
      %parallel_loop3A_50 = tpu.vector_load_idx %parallel_loop3A_49[%parallel_loop3A_27] : memref<1024xi32, #tpu.memory_space<vmem>>[vector<16xi32>], vector<16xi32>,
      %parallel_loop3A_51 = vector.bitcast %parallel_loop3A_40 : vector<16xi32> to vector<32xbf16>
      %parallel_loop3A_52 = vector.bitcast %parallel_loop3A_45 : vector<16xi32> to vector<32xbf16>
      %parallel_loop3A_53 = arith.mulf %parallel_loop3A_51, %parallel_loop3A_52 : vector<32xbf16>
      %parallel_loop3A_54 = vector.bitcast %parallel_loop3A_50 : vector<16xi32> to vector<32xbf16>
      %parallel_loop3A_55 = arith.mulf %parallel_loop3A_53, %parallel_loop3A_54 : vector<32xbf16>
      %parallel_loop3A_56 = vector.bitcast %parallel_loop3A_55 : vector<32xbf16> to vector<16xi32>
      %parallel_loop3A_57 = arith.constant 16 : i32
      %parallel_loop3A_58 = vector.broadcast %parallel_loop3A_57 : i32 to vector<16xi32>
      %parallel_loop3A_59 = arith.shli %parallel_loop3A_56, %parallel_loop3A_58 : vector<16xi32>
      %parallel_loop3A_60 = vector.bitcast %parallel_loop3A_59 : vector<16xi32> to vector<16xf32>
      %parallel_loop3A_61 = arith.constant -65536 : i32
      %parallel_loop3A_62 = vector.broadcast %parallel_loop3A_61 : i32 to vector<16xi32>
      %parallel_loop3A_63 = arith.andi %parallel_loop3A_56, %parallel_loop3A_62 : vector<16xi32>
      %parallel_loop3A_64 = vector.bitcast %parallel_loop3A_63 : vector<16xi32> to vector<16xf32>
      %parallel_loop3A_65 = arith.addf %parallel_loop3A_29, %parallel_loop3A_60 : vector<16xf32>
      %parallel_loop3A_66 = arith.addf %parallel_loop3A_31, %parallel_loop3A_64 : vector<16xf32>
      %parallel_loop3A_67 = arith.constant 1 : i32
      %parallel_loop3A_68 = arith.constant 0 : i32
      %parallel_loop3A_69 = tpu.memref_slice %arg7[%parallel_loop3A_67, %parallel_loop3A_68] : memref<8x4096xi32, #tpu.memory_space<vmem>> -> memref<1x4096xi32, #tpu.memory_space<vmem>>
      %parallel_loop3A_70 = tpu.memref_squeeze %parallel_loop3A_69 : memref<1x4096xi32, #tpu.memory_space<vmem>> -> memref<4096xi32, #tpu.memory_space<vmem>>
      %parallel_loop3A_71 = tpu.vector_load_idx %parallel_loop3A_70[%parallel_loop3A_14] : memref<4096xi32, #tpu.memory_space<vmem>>[vector<16xi32>], vector<16xi32>,
      %parallel_loop3A_72 = arith.constant 1 : i32
      %parallel_loop3A_73 = arith.constant 0 : i32
      %parallel_loop3A_74 = tpu.memref_slice %arg8[%parallel_loop3A_72, %parallel_loop3A_73] : memref<8x4096xi32, #tpu.memory_space<vmem>> -> memref<1x4096xi32, #tpu.memory_space<vmem>>
      %parallel_loop3A_75 = tpu.memref_squeeze %parallel_loop3A_74 : memref<1x4096xi32, #tpu.memory_space<vmem>> -> memref<4096xi32, #tpu.memory_space<vmem>>
      %parallel_loop3A_76 = tpu.vector_load_idx %parallel_loop3A_75[%parallel_loop3A_20] : memref<4096xi32, #tpu.memory_space<vmem>>[vector<16xi32>], vector<16xi32>,
      %parallel_loop3A_77 = arith.constant 1 : i32
      %parallel_loop3A_78 = arith.constant 0 : i32
      %parallel_loop3A_79 = tpu.memref_slice %arg9[%parallel_loop3A_77, %parallel_loop3A_78] : memref<8x1024xi32, #tpu.memory_space<vmem>> -> memref<1x1024xi32, #tpu.memory_space<vmem>>
      %parallel_loop3A_80 = tpu.memref_squeeze %parallel_loop3A_79 : memref<1x1024xi32, #tpu.memory_space<vmem>> -> memref<1024xi32, #tpu.memory_space<vmem>>
      %parallel_loop3A_81 = tpu.vector_load_idx %parallel_loop3A_80[%parallel_loop3A_27] : memref<1024xi32, #tpu.memory_space<vmem>>[vector<16xi32>], vector<16xi32>,
      %parallel_loop3A_82 = vector.bitcast %parallel_loop3A_71 : vector<16xi32> to vector<32xbf16>
      %parallel_loop3A_83 = vector.bitcast %parallel_loop3A_76 : vector<16xi32> to vector<32xbf16>
      %parallel_loop3A_84 = arith.mulf %parallel_loop3A_82, %parallel_loop3A_83 : vector<32xbf16>
      %parallel_loop3A_85 = vector.bitcast %parallel_loop3A_81 : vector<16xi32> to vector<32xbf16>
      %parallel_loop3A_86 = arith.mulf %parallel_loop3A_84, %parallel_loop3A_85 : vector<32xbf16>
      %parallel_loop3A_87 = vector.bitcast %parallel_loop3A_86 : vector<32xbf16> to vector<16xi32>
      %parallel_loop3A_88 = arith.constant 16 : i32
      %parallel_loop3A_89 = vector.broadcast %parallel_loop3A_88 : i32 to vector<16xi32>
      %parallel_loop3A_90 = arith.shli %parallel_loop3A_87, %parallel_loop3A_89 : vector<16xi32>
      %parallel_loop3A_91 = vector.bitcast %parallel_loop3A_90 : vector<16xi32> to vector<16xf32>
      %parallel_loop3A_92 = arith.constant -65536 : i32
      %parallel_loop3A_93 = vector.broadcast %parallel_loop3A_92 : i32 to vector<16xi32>
      %parallel_loop3A_94 = arith.andi %parallel_loop3A_87, %parallel_loop3A_93 : vector<16xi32>
      %parallel_loop3A_95 = vector.bitcast %parallel_loop3A_94 : vector<16xi32> to vector<16xf32>
      %parallel_loop3A_96 = arith.addf %parallel_loop3A_33, %parallel_loop3A_91 : vector<16xf32>
      %parallel_loop3A_97 = arith.addf %parallel_loop3A_35, %parallel_loop3A_95 : vector<16xf32>
      %parallel_loop3A_98 = arith.constant 2 : i32
      %parallel_loop3A_99 = arith.constant 0 : i32
      %parallel_loop3A_100 = tpu.memref_slice %arg7[%parallel_loop3A_98, %parallel_loop3A_99] : memref<8x4096xi32, #tpu.memory_space<vmem>> -> memref<1x4096xi32, #tpu.memory_space<vmem>>
      %parallel_loop3A_101 = tpu.memref_squeeze %parallel_loop3A_100 : memref<1x4096xi32, #tpu.memory_space<vmem>> -> memref<4096xi32, #tpu.memory_space<vmem>>
      %parallel_loop3A_102 = tpu.vector_load_idx %parallel_loop3A_101[%parallel_loop3A_14] : memref<4096xi32, #tpu.memory_space<vmem>>[vector<16xi32>], vector<16xi32>,
      %parallel_loop3A_103 = arith.constant 2 : i32
      %parallel_loop3A_104 = arith.constant 0 : i32
      %parallel_loop3A_105 = tpu.memref_slice %arg8[%parallel_loop3A_103, %parallel_loop3A_104] : memref<8x4096xi32, #tpu.memory_space<vmem>> -> memref<1x4096xi32, #tpu.memory_space<vmem>>
      %parallel_loop3A_106 = tpu.memref_squeeze %parallel_loop3A_105 : memref<1x4096xi32, #tpu.memory_space<vmem>> -> memref<4096xi32, #tpu.memory_space<vmem>>
      %parallel_loop3A_107 = tpu.vector_load_idx %parallel_loop3A_106[%parallel_loop3A_20] : memref<4096xi32, #tpu.memory_space<vmem>>[vector<16xi32>], vector<16xi32>,
      %parallel_loop3A_108 = arith.constant 2 : i32
      %parallel_loop3A_109 = arith.constant 0 : i32
      %parallel_loop3A_110 = tpu.memref_slice %arg9[%parallel_loop3A_108, %parallel_loop3A_109] : memref<8x1024xi32, #tpu.memory_space<vmem>> -> memref<1x1024xi32, #tpu.memory_space<vmem>>
      %parallel_loop3A_111 = tpu.memref_squeeze %parallel_loop3A_110 : memref<1x1024xi32, #tpu.memory_space<vmem>> -> memref<1024xi32, #tpu.memory_space<vmem>>
      %parallel_loop3A_112 = tpu.vector_load_idx %parallel_loop3A_111[%parallel_loop3A_27] : memref<1024xi32, #tpu.memory_space<vmem>>[vector<16xi32>], vector<16xi32>,
      %parallel_loop3A_113 = vector.bitcast %parallel_loop3A_102 : vector<16xi32> to vector<32xbf16>
      %parallel_loop3A_114 = vector.bitcast %parallel_loop3A_107 : vector<16xi32> to vector<32xbf16>
      %parallel_loop3A_115 = arith.mulf %parallel_loop3A_113, %parallel_loop3A_114 : vector<32xbf16>
      %parallel_loop3A_116 = vector.bitcast %parallel_loop3A_112 : vector<16xi32> to vector<32xbf16>
      %parallel_loop3A_117 = arith.mulf %parallel_loop3A_115, %parallel_loop3A_116 : vector<32xbf16>
      %parallel_loop3A_118 = vector.bitcast %parallel_loop3A_117 : vector<32xbf16> to vector<16xi32>
      %parallel_loop3A_119 = arith.constant 16 : i32
      %parallel_loop3A_120 = vector.broadcast %parallel_loop3A_119 : i32 to vector<16xi32>
      %parallel_loop3A_121 = arith.shli %parallel_loop3A_118, %parallel_loop3A_120 : vector<16xi32>
      %parallel_loop3A_122 = vector.bitcast %parallel_loop3A_121 : vector<16xi32> to vector<16xf32>
      %parallel_loop3A_123 = arith.constant -65536 : i32
      %parallel_loop3A_124 = vector.broadcast %parallel_loop3A_123 : i32 to vector<16xi32>
      %parallel_loop3A_125 = arith.andi %parallel_loop3A_118, %parallel_loop3A_124 : vector<16xi32>
      %parallel_loop3A_126 = vector.bitcast %parallel_loop3A_125 : vector<16xi32> to vector<16xf32>
      %parallel_loop3A_127 = arith.addf %parallel_loop3A_65, %parallel_loop3A_122 : vector<16xf32>
      %parallel_loop3A_128 = arith.addf %parallel_loop3A_66, %parallel_loop3A_126 : vector<16xf32>
      %parallel_loop3A_129 = arith.constant 3 : i32
      %parallel_loop3A_130 = arith.constant 0 : i32
      %parallel_loop3A_131 = tpu.memref_slice %arg7[%parallel_loop3A_129, %parallel_loop3A_130] : memref<8x4096xi32, #tpu.memory_space<vmem>> -> memref<1x4096xi32, #tpu.memory_space<vmem>>
      %parallel_loop3A_132 = tpu.memref_squeeze %parallel_loop3A_131 : memref<1x4096xi32, #tpu.memory_space<vmem>> -> memref<4096xi32, #tpu.memory_space<vmem>>
      %parallel_loop3A_133 = tpu.vector_load_idx %parallel_loop3A_132[%parallel_loop3A_14] : memref<4096xi32, #tpu.memory_space<vmem>>[vector<16xi32>], vector<16xi32>,
      %parallel_loop3A_134 = arith.constant 3 : i32
      %parallel_loop3A_135 = arith.constant 0 : i32
      %parallel_loop3A_136 = tpu.memref_slice %arg8[%parallel_loop3A_134, %parallel_loop3A_135] : memref<8x4096xi32, #tpu.memory_space<vmem>> -> memref<1x4096xi32, #tpu.memory_space<vmem>>
      %parallel_loop3A_137 = tpu.memref_squeeze %parallel_loop3A_136 : memref<1x4096xi32, #tpu.memory_space<vmem>> -> memref<4096xi32, #tpu.memory_space<vmem>>
      %parallel_loop3A_138 = tpu.vector_load_idx %parallel_loop3A_137[%parallel_loop3A_20] : memref<4096xi32, #tpu.memory_space<vmem>>[vector<16xi32>], vector<16xi32>,
      %parallel_loop3A_139 = arith.constant 3 : i32
      %parallel_loop3A_140 = arith.constant 0 : i32
      %parallel_loop3A_141 = tpu.memref_slice %arg9[%parallel_loop3A_139, %parallel_loop3A_140] : memref<8x1024xi32, #tpu.memory_space<vmem>> -> memref<1x1024xi32, #tpu.memory_space<vmem>>
      %parallel_loop3A_142 = tpu.memref_squeeze %parallel_loop3A_141 : memref<1x1024xi32, #tpu.memory_space<vmem>> -> memref<1024xi32, #tpu.memory_space<vmem>>
      %parallel_loop3A_143 = tpu.vector_load_idx %parallel_loop3A_142[%parallel_loop3A_27] : memref<1024xi32, #tpu.memory_space<vmem>>[vector<16xi32>], vector<16xi32>,
      %parallel_loop3A_144 = vector.bitcast %parallel_loop3A_133 : vector<16xi32> to vector<32xbf16>
      %parallel_loop3A_145 = vector.bitcast %parallel_loop3A_138 : vector<16xi32> to vector<32xbf16>
      %parallel_loop3A_146 = arith.mulf %parallel_loop3A_144, %parallel_loop3A_145 : vector<32xbf16>
      %parallel_loop3A_147 = vector.bitcast %parallel_loop3A_143 : vector<16xi32> to vector<32xbf16>
      %parallel_loop3A_148 = arith.mulf %parallel_loop3A_146, %parallel_loop3A_147 : vector<32xbf16>
      %parallel_loop3A_149 = vector.bitcast %parallel_loop3A_148 : vector<32xbf16> to vector<16xi32>
      %parallel_loop3A_150 = arith.constant 16 : i32
      %parallel_loop3A_151 = vector.broadcast %parallel_loop3A_150 : i32 to vector<16xi32>
      %parallel_loop3A_152 = arith.shli %parallel_loop3A_149, %parallel_loop3A_151 : vector<16xi32>
      %parallel_loop3A_153 = vector.bitcast %parallel_loop3A_152 : vector<16xi32> to vector<16xf32>
      %parallel_loop3A_154 = arith.constant -65536 : i32
      %parallel_loop3A_155 = vector.broadcast %parallel_loop3A_154 : i32 to vector<16xi32>
      %parallel_loop3A_156 = arith.andi %parallel_loop3A_149, %parallel_loop3A_155 : vector<16xi32>
      %parallel_loop3A_157 = vector.bitcast %parallel_loop3A_156 : vector<16xi32> to vector<16xf32>
      %parallel_loop3A_158 = arith.addf %parallel_loop3A_96, %parallel_loop3A_153 : vector<16xf32>
      %parallel_loop3A_159 = arith.addf %parallel_loop3A_97, %parallel_loop3A_157 : vector<16xf32>
      %parallel_loop3A_160 = arith.constant 4 : i32
      %parallel_loop3A_161 = arith.constant 0 : i32
      %parallel_loop3A_162 = tpu.memref_slice %arg7[%parallel_loop3A_160, %parallel_loop3A_161] : memref<8x4096xi32, #tpu.memory_space<vmem>> -> memref<1x4096xi32, #tpu.memory_space<vmem>>
      %parallel_loop3A_163 = tpu.memref_squeeze %parallel_loop3A_162 : memref<1x4096xi32, #tpu.memory_space<vmem>> -> memref<4096xi32, #tpu.memory_space<vmem>>
      %parallel_loop3A_164 = tpu.vector_load_idx %parallel_loop3A_163[%parallel_loop3A_14] : memref<4096xi32, #tpu.memory_space<vmem>>[vector<16xi32>], vector<16xi32>,
      %parallel_loop3A_165 = arith.constant 4 : i32
      %parallel_loop3A_166 = arith.constant 0 : i32
      %parallel_loop3A_167 = tpu.memref_slice %arg8[%parallel_loop3A_165, %parallel_loop3A_166] : memref<8x4096xi32, #tpu.memory_space<vmem>> -> memref<1x4096xi32, #tpu.memory_space<vmem>>
      %parallel_loop3A_168 = tpu.memref_squeeze %parallel_loop3A_167 : memref<1x4096xi32, #tpu.memory_space<vmem>> -> memref<4096xi32, #tpu.memory_space<vmem>>
      %parallel_loop3A_169 = tpu.vector_load_idx %parallel_loop3A_168[%parallel_loop3A_20] : memref<4096xi32, #tpu.memory_space<vmem>>[vector<16xi32>], vector<16xi32>,
      %parallel_loop3A_170 = arith.constant 4 : i32
      %parallel_loop3A_171 = arith.constant 0 : i32
      %parallel_loop3A_172 = tpu.memref_slice %arg9[%parallel_loop3A_170, %parallel_loop3A_171] : memref<8x1024xi32, #tpu.memory_space<vmem>> -> memref<1x1024xi32, #tpu.memory_space<vmem>>
      %parallel_loop3A_173 = tpu.memref_squeeze %parallel_loop3A_172 : memref<1x1024xi32, #tpu.memory_space<vmem>> -> memref<1024xi32, #tpu.memory_space<vmem>>
      %parallel_loop3A_174 = tpu.vector_load_idx %parallel_loop3A_173[%parallel_loop3A_27] : memref<1024xi32, #tpu.memory_space<vmem>>[vector<16xi32>], vector<16xi32>,
      %parallel_loop3A_175 = vector.bitcast %parallel_loop3A_164 : vector<16xi32> to vector<32xbf16>
      %parallel_loop3A_176 = vector.bitcast %parallel_loop3A_169 : vector<16xi32> to vector<32xbf16>
      %parallel_loop3A_177 = arith.mulf %parallel_loop3A_175, %parallel_loop3A_176 : vector<32xbf16>
      %parallel_loop3A_178 = vector.bitcast %parallel_loop3A_174 : vector<16xi32> to vector<32xbf16>
      %parallel_loop3A_179 = arith.mulf %parallel_loop3A_177, %parallel_loop3A_178 : vector<32xbf16>
      %parallel_loop3A_180 = vector.bitcast %parallel_loop3A_179 : vector<32xbf16> to vector<16xi32>
      %parallel_loop3A_181 = arith.constant 16 : i32
      %parallel_loop3A_182 = vector.broadcast %parallel_loop3A_181 : i32 to vector<16xi32>
      %parallel_loop3A_183 = arith.shli %parallel_loop3A_180, %parallel_loop3A_182 : vector<16xi32>
      %parallel_loop3A_184 = vector.bitcast %parallel_loop3A_183 : vector<16xi32> to vector<16xf32>
      %parallel_loop3A_185 = arith.constant -65536 : i32
      %parallel_loop3A_186 = vector.broadcast %parallel_loop3A_185 : i32 to vector<16xi32>
      %parallel_loop3A_187 = arith.andi %parallel_loop3A_180, %parallel_loop3A_186 : vector<16xi32>
      %parallel_loop3A_188 = vector.bitcast %parallel_loop3A_187 : vector<16xi32> to vector<16xf32>
      %parallel_loop3A_189 = arith.addf %parallel_loop3A_127, %parallel_loop3A_184 : vector<16xf32>
      %parallel_loop3A_190 = arith.addf %parallel_loop3A_128, %parallel_loop3A_188 : vector<16xf32>
      %parallel_loop3A_191 = arith.constant 5 : i32
      %parallel_loop3A_192 = arith.constant 0 : i32
      %parallel_loop3A_193 = tpu.memref_slice %arg7[%parallel_loop3A_191, %parallel_loop3A_192] : memref<8x4096xi32, #tpu.memory_space<vmem>> -> memref<1x4096xi32, #tpu.memory_space<vmem>>
      %parallel_loop3A_194 = tpu.memref_squeeze %parallel_loop3A_193 : memref<1x4096xi32, #tpu.memory_space<vmem>> -> memref<4096xi32, #tpu.memory_space<vmem>>
      %parallel_loop3A_195 = tpu.vector_load_idx %parallel_loop3A_194[%parallel_loop3A_14] : memref<4096xi32, #tpu.memory_space<vmem>>[vector<16xi32>], vector<16xi32>,
      %parallel_loop3A_196 = arith.constant 5 : i32
      %parallel_loop3A_197 = arith.constant 0 : i32
      %parallel_loop3A_198 = tpu.memref_slice %arg8[%parallel_loop3A_196, %parallel_loop3A_197] : memref<8x4096xi32, #tpu.memory_space<vmem>> -> memref<1x4096xi32, #tpu.memory_space<vmem>>
      %parallel_loop3A_199 = tpu.memref_squeeze %parallel_loop3A_198 : memref<1x4096xi32, #tpu.memory_space<vmem>> -> memref<4096xi32, #tpu.memory_space<vmem>>
      %parallel_loop3A_200 = tpu.vector_load_idx %parallel_loop3A_199[%parallel_loop3A_20] : memref<4096xi32, #tpu.memory_space<vmem>>[vector<16xi32>], vector<16xi32>,
      %parallel_loop3A_201 = arith.constant 5 : i32
      %parallel_loop3A_202 = arith.constant 0 : i32
      %parallel_loop3A_203 = tpu.memref_slice %arg9[%parallel_loop3A_201, %parallel_loop3A_202] : memref<8x1024xi32, #tpu.memory_space<vmem>> -> memref<1x1024xi32, #tpu.memory_space<vmem>>
      %parallel_loop3A_204 = tpu.memref_squeeze %parallel_loop3A_203 : memref<1x1024xi32, #tpu.memory_space<vmem>> -> memref<1024xi32, #tpu.memory_space<vmem>>
      %parallel_loop3A_205 = tpu.vector_load_idx %parallel_loop3A_204[%parallel_loop3A_27] : memref<1024xi32, #tpu.memory_space<vmem>>[vector<16xi32>], vector<16xi32>,
      %parallel_loop3A_206 = vector.bitcast %parallel_loop3A_195 : vector<16xi32> to vector<32xbf16>
      %parallel_loop3A_207 = vector.bitcast %parallel_loop3A_200 : vector<16xi32> to vector<32xbf16>
      %parallel_loop3A_208 = arith.mulf %parallel_loop3A_206, %parallel_loop3A_207 : vector<32xbf16>
      %parallel_loop3A_209 = vector.bitcast %parallel_loop3A_205 : vector<16xi32> to vector<32xbf16>
      %parallel_loop3A_210 = arith.mulf %parallel_loop3A_208, %parallel_loop3A_209 : vector<32xbf16>
      %parallel_loop3A_211 = vector.bitcast %parallel_loop3A_210 : vector<32xbf16> to vector<16xi32>
      %parallel_loop3A_212 = arith.constant 16 : i32
      %parallel_loop3A_213 = vector.broadcast %parallel_loop3A_212 : i32 to vector<16xi32>
      %parallel_loop3A_214 = arith.shli %parallel_loop3A_211, %parallel_loop3A_213 : vector<16xi32>
      %parallel_loop3A_215 = vector.bitcast %parallel_loop3A_214 : vector<16xi32> to vector<16xf32>
      %parallel_loop3A_216 = arith.constant -65536 : i32
      %parallel_loop3A_217 = vector.broadcast %parallel_loop3A_216 : i32 to vector<16xi32>
      %parallel_loop3A_218 = arith.andi %parallel_loop3A_211, %parallel_loop3A_217 : vector<16xi32>
      %parallel_loop3A_219 = vector.bitcast %parallel_loop3A_218 : vector<16xi32> to vector<16xf32>
      %parallel_loop3A_220 = arith.addf %parallel_loop3A_158, %parallel_loop3A_215 : vector<16xf32>
      %parallel_loop3A_221 = arith.addf %parallel_loop3A_159, %parallel_loop3A_219 : vector<16xf32>
      %parallel_loop3A_222 = arith.constant 6 : i32
      %parallel_loop3A_223 = arith.constant 0 : i32
      %parallel_loop3A_224 = tpu.memref_slice %arg7[%parallel_loop3A_222, %parallel_loop3A_223] : memref<8x4096xi32, #tpu.memory_space<vmem>> -> memref<1x4096xi32, #tpu.memory_space<vmem>>
      %parallel_loop3A_225 = tpu.memref_squeeze %parallel_loop3A_224 : memref<1x4096xi32, #tpu.memory_space<vmem>> -> memref<4096xi32, #tpu.memory_space<vmem>>
      %parallel_loop3A_226 = tpu.vector_load_idx %parallel_loop3A_225[%parallel_loop3A_14] : memref<4096xi32, #tpu.memory_space<vmem>>[vector<16xi32>], vector<16xi32>,
      %parallel_loop3A_227 = arith.constant 6 : i32
      %parallel_loop3A_228 = arith.constant 0 : i32
      %parallel_loop3A_229 = tpu.memref_slice %arg8[%parallel_loop3A_227, %parallel_loop3A_228] : memref<8x4096xi32, #tpu.memory_space<vmem>> -> memref<1x4096xi32, #tpu.memory_space<vmem>>
      %parallel_loop3A_230 = tpu.memref_squeeze %parallel_loop3A_229 : memref<1x4096xi32, #tpu.memory_space<vmem>> -> memref<4096xi32, #tpu.memory_space<vmem>>
      %parallel_loop3A_231 = tpu.vector_load_idx %parallel_loop3A_230[%parallel_loop3A_20] : memref<4096xi32, #tpu.memory_space<vmem>>[vector<16xi32>], vector<16xi32>,
      %parallel_loop3A_232 = arith.constant 6 : i32
      %parallel_loop3A_233 = arith.constant 0 : i32
      %parallel_loop3A_234 = tpu.memref_slice %arg9[%parallel_loop3A_232, %parallel_loop3A_233] : memref<8x1024xi32, #tpu.memory_space<vmem>> -> memref<1x1024xi32, #tpu.memory_space<vmem>>
      %parallel_loop3A_235 = tpu.memref_squeeze %parallel_loop3A_234 : memref<1x1024xi32, #tpu.memory_space<vmem>> -> memref<1024xi32, #tpu.memory_space<vmem>>
      %parallel_loop3A_236 = tpu.vector_load_idx %parallel_loop3A_235[%parallel_loop3A_27] : memref<1024xi32, #tpu.memory_space<vmem>>[vector<16xi32>], vector<16xi32>,
      %parallel_loop3A_237 = vector.bitcast %parallel_loop3A_226 : vector<16xi32> to vector<32xbf16>
      %parallel_loop3A_238 = vector.bitcast %parallel_loop3A_231 : vector<16xi32> to vector<32xbf16>
      %parallel_loop3A_239 = arith.mulf %parallel_loop3A_237, %parallel_loop3A_238 : vector<32xbf16>
      %parallel_loop3A_240 = vector.bitcast %parallel_loop3A_236 : vector<16xi32> to vector<32xbf16>
      %parallel_loop3A_241 = arith.mulf %parallel_loop3A_239, %parallel_loop3A_240 : vector<32xbf16>
      %parallel_loop3A_242 = vector.bitcast %parallel_loop3A_241 : vector<32xbf16> to vector<16xi32>
      %parallel_loop3A_243 = arith.constant 16 : i32
      %parallel_loop3A_244 = vector.broadcast %parallel_loop3A_243 : i32 to vector<16xi32>
      %parallel_loop3A_245 = arith.shli %parallel_loop3A_242, %parallel_loop3A_244 : vector<16xi32>
      %parallel_loop3A_246 = vector.bitcast %parallel_loop3A_245 : vector<16xi32> to vector<16xf32>
      %parallel_loop3A_247 = arith.constant -65536 : i32
      %parallel_loop3A_248 = vector.broadcast %parallel_loop3A_247 : i32 to vector<16xi32>
      %parallel_loop3A_249 = arith.andi %parallel_loop3A_242, %parallel_loop3A_248 : vector<16xi32>
      %parallel_loop3A_250 = vector.bitcast %parallel_loop3A_249 : vector<16xi32> to vector<16xf32>
      %parallel_loop3A_251 = arith.addf %parallel_loop3A_189, %parallel_loop3A_246 : vector<16xf32>
      %parallel_loop3A_252 = arith.addf %parallel_loop3A_190, %parallel_loop3A_250 : vector<16xf32>
      %parallel_loop3A_253 = arith.constant 7 : i32
      %parallel_loop3A_254 = arith.constant 0 : i32
      %parallel_loop3A_255 = tpu.memref_slice %arg7[%parallel_loop3A_253, %parallel_loop3A_254] : memref<8x4096xi32, #tpu.memory_space<vmem>> -> memref<1x4096xi32, #tpu.memory_space<vmem>>
      %parallel_loop3A_256 = tpu.memref_squeeze %parallel_loop3A_255 : memref<1x4096xi32, #tpu.memory_space<vmem>> -> memref<4096xi32, #tpu.memory_space<vmem>>
      %parallel_loop3A_257 = tpu.vector_load_idx %parallel_loop3A_256[%parallel_loop3A_14] : memref<4096xi32, #tpu.memory_space<vmem>>[vector<16xi32>], vector<16xi32>,
      %parallel_loop3A_258 = arith.constant 7 : i32
      %parallel_loop3A_259 = arith.constant 0 : i32
      %parallel_loop3A_260 = tpu.memref_slice %arg8[%parallel_loop3A_258, %parallel_loop3A_259] : memref<8x4096xi32, #tpu.memory_space<vmem>> -> memref<1x4096xi32, #tpu.memory_space<vmem>>
      %parallel_loop3A_261 = tpu.memref_squeeze %parallel_loop3A_260 : memref<1x4096xi32, #tpu.memory_space<vmem>> -> memref<4096xi32, #tpu.memory_space<vmem>>
      %parallel_loop3A_262 = tpu.vector_load_idx %parallel_loop3A_261[%parallel_loop3A_20] : memref<4096xi32, #tpu.memory_space<vmem>>[vector<16xi32>], vector<16xi32>,
      %parallel_loop3A_263 = arith.constant 7 : i32
      %parallel_loop3A_264 = arith.constant 0 : i32
      %parallel_loop3A_265 = tpu.memref_slice %arg9[%parallel_loop3A_263, %parallel_loop3A_264] : memref<8x1024xi32, #tpu.memory_space<vmem>> -> memref<1x1024xi32, #tpu.memory_space<vmem>>
      %parallel_loop3A_266 = tpu.memref_squeeze %parallel_loop3A_265 : memref<1x1024xi32, #tpu.memory_space<vmem>> -> memref<1024xi32, #tpu.memory_space<vmem>>
      %parallel_loop3A_267 = tpu.vector_load_idx %parallel_loop3A_266[%parallel_loop3A_27] : memref<1024xi32, #tpu.memory_space<vmem>>[vector<16xi32>], vector<16xi32>,
      %parallel_loop3A_268 = vector.bitcast %parallel_loop3A_257 : vector<16xi32> to vector<32xbf16>
      %parallel_loop3A_269 = vector.bitcast %parallel_loop3A_262 : vector<16xi32> to vector<32xbf16>
      %parallel_loop3A_270 = arith.mulf %parallel_loop3A_268, %parallel_loop3A_269 : vector<32xbf16>
      %parallel_loop3A_271 = vector.bitcast %parallel_loop3A_267 : vector<16xi32> to vector<32xbf16>
      %parallel_loop3A_272 = arith.mulf %parallel_loop3A_270, %parallel_loop3A_271 : vector<32xbf16>
      %parallel_loop3A_273 = vector.bitcast %parallel_loop3A_272 : vector<32xbf16> to vector<16xi32>
      %parallel_loop3A_274 = arith.constant 16 : i32
      %parallel_loop3A_275 = vector.broadcast %parallel_loop3A_274 : i32 to vector<16xi32>
      %parallel_loop3A_276 = arith.shli %parallel_loop3A_273, %parallel_loop3A_275 : vector<16xi32>
      %parallel_loop3A_277 = vector.bitcast %parallel_loop3A_276 : vector<16xi32> to vector<16xf32>
      %parallel_loop3A_278 = arith.constant -65536 : i32
      %parallel_loop3A_279 = vector.broadcast %parallel_loop3A_278 : i32 to vector<16xi32>
      %parallel_loop3A_280 = arith.andi %parallel_loop3A_273, %parallel_loop3A_279 : vector<16xi32>
      %parallel_loop3A_281 = vector.bitcast %parallel_loop3A_280 : vector<16xi32> to vector<16xf32>
      %parallel_loop3A_282 = arith.addf %parallel_loop3A_220, %parallel_loop3A_277 : vector<16xf32>
      %parallel_loop3A_283 = arith.addf %parallel_loop3A_221, %parallel_loop3A_281 : vector<16xf32>
      %parallel_loop3A_284 = arith.addf %parallel_loop3A_251, %parallel_loop3A_252 : vector<16xf32>
      %parallel_loop3A_285 = arith.addf %parallel_loop3A_282, %parallel_loop3A_283 : vector<16xf32>
      %parallel_loop3A_286 = arith.addf %parallel_loop3A_284, %parallel_loop3A_285 : vector<16xf32>
      %parallel_loop3A_287 = arith.constant 16 : i32
      %parallel_loop3A_288 = arith.muli %parallel_loop3A_7, %parallel_loop3A_287 : i32
      %parallel_loop3A_289 = arith.index_cast %parallel_loop3A_288 : i32 to index
      %parallel_loop3A_290 = tpu.vector_load %arg11[%parallel_loop3A_289] {strides = array<i32>} : memref<16384xf32, #tpu.memory_space<vmem>>, vector<16xf32>,
      tpu.vector_store %arg11[%parallel_loop3A_289], %parallel_loop3A_286 {strides = array<i32>} : memref<16384xf32, #tpu.memory_space<vmem>>, vector<16xf32>,
    } {sc.loop_unroll_factor = 4 : i64, sc.parallel_access}
    "tpu.region"() ({
      %run_scoped3A = tpu.sem_alloc : memref<!tpu.dma_semaphore, #tpu.memory_space<semaphore_mem>>
      %dma_start3A_7 = tpu.memref_slice %arg6[%mul3A_2] : memref<524288xf32, #tpu.memory_space<hbm>> -> memref<16384xf32, #tpu.memory_space<hbm>>
      %dma_start3A_8 = tpu.memref_slice %arg6[%mul3A_2] : memref<524288xf32, #tpu.memory_space<hbm>> -> memref<16384xf32, #tpu.memory_space<hbm>>
      tpu.enqueue_dma source(%arg11 : memref<16384xf32, #tpu.memory_space<vmem>>) target(%dma_start3A_8 : memref<16384xf32, #tpu.memory_space<hbm>>) target_semaphore(%run_scoped3A : memref<!tpu.dma_semaphore, #tpu.memory_space<semaphore_mem>>)
      %dma_wait3A_9 = tpu.memref_slice %arg6[%mul3A_2] : memref<524288xf32, #tpu.memory_space<hbm>> -> memref<16384xf32, #tpu.memory_space<hbm>>
      %dma_wait3A_10 = tpu.memref_slice %arg6[%mul3A_2] : memref<524288xf32, #tpu.memory_space<hbm>> -> memref<16384xf32, #tpu.memory_space<hbm>>
      tpu.wait_dma2 semaphore(%run_scoped3A : memref<!tpu.dma_semaphore, #tpu.memory_space<semaphore_mem>>) src(%arg11 : memref<16384xf32, #tpu.memory_space<vmem>>) dst(%dma_wait3A_10 : memref<16384xf32, #tpu.memory_space<hbm>>)
      tpu.yield
    }) : () -> ()
    return
  }
}

</mosaic_0001>

<sc_bundles>
// kernel: kernel.3.cloned.1.call-start
scs
__scs_entry_jumppad:
0x0: {  	(pc) =	sbr.rel $0x88, $3  }
0x1: {  	(tag) =	ssettag $0x0;
	lr =	simm.s32 $0x1  }
0x2: {  	[smem:$0x3F9D] =	sst lr;
	_ =	strace $0xD0000000  }
0x3: {  	_ = 	snop  }
0x4: {  	_ = 	snop  }
0x5: {  	_ = 	snop  }
0x6: {  	_ = 	snop  }
0x7: {  	_ = 	snop  }
__scs_overlays_trampoline_lowered:
0x8: {  	[smem:$0x3FAC] =	sst s0  }
0x9: {  	[smem:$0x3FAD] =	sst s1  }
0xa: {  	[smem:$0x3FAE] =	sst s2  }
0xb: {  	[smem:$0x3FAF] =	sst s3  }
0xc: {  	[smem:$0x3FB0] =	sst s4  }
0xd: {  	[smem:$0x3FB1] =	sst s5  }
0xe: {  	[smem:$0x3FB2] =	sst s6  }
0xf: {  	[smem:$0x3FB3] =	sst s7  }
0x10: {  	[smem:$0x3FB4] =	sst s8  }
0x11: {  	[smem:$0x3FB5] =	sst s9;
	s0 =	simm.s32 @!p0 $0x0  }
0x12: {  	s1 =	sld [smem:$0x3F9B];
	s0 =	simm.s32 @p0 $0x1  }
0x13: {  	[smem:$0x3FB6] =	sst s0;
	s0 =	simm.s32 @!p1 $0x0  }
0x14: {  	s2 =	sld [smem:$0x3F9A];
	s0 =	simm.s32 @p1 $0x1  }
0x15: {  	[smem:$0x3FB7] =	sst s0;
	s0 =	simm.s32 @!p2 $0x0  }
0x16: {  	s3 =	sld [smem:$0x3FDB];
	s0 =	simm.s32 @p2 $0x1  }
0x17: {  	s4 =	simm.s32 $0x1BF5;
	[smem:$0x3FB9] =	sst s0  }
0x18: {  	s0 =	sld [smem:$0x3F9C];
	_ =	swait.ge [sflag:s4], $0x0  }
0x19: {  	s7 =	sld [smem:$0x3F9D]  }
0x1a: {  	s8 =	sadd.s32 $0xFFFFE003, lr  }
0x1b: {  	s9 =	sadd.s32 $0xFFFFFEF7, lr;
	s5 =	simm.s32 $0xFFFFFFFF;
	p2 =	slt.u32 s8, $0xFFFFF086  }
0x1c: {  	p1 =	slt.u32 s9, $0xF7A;
	s5 =	simm.s32 @!p2 $0x0  }
0x1d: {  	s5 =	simm.s32 @p1 $0x1;
	p0 =	seq.s32 s7, s2  }
0x1e: {  	s7 =	smul.u32 @!p0 $0xF7A, s2;
	p2 =	seq.s32 @!p0 s5, $0x0  }
0x1f: {  	s9 =	smul.u32 $0xF7A, s1;
	s8 =	simm.s32 @!p0 $0x1BF5;
	p2 =	por !p2, p0  }
0x20: {  	[sflag:s8] =	ssyncset.s32 @!p0 $0xFFFFF086;
	s6 =	sadd.s32 @!p0 s3, s7;
	s7 =	simm.s32 @!p0 $0x108  }
0x21: {  	s3 =	sadd.s32 s3, s9;
	s6 =	sadd.s32 @!p0 $0x88, s6;
	s7 =	simm.s32 @p2 $0x1082  }
0x22: {  	[simem:s7], [sflag:s8] =	dma.local @!p0 [hbm:s6], $0xF7A  }
0x23: {  	s9 =	sor.u32 $0xD0000000, s2;
	s6 =	simm.s32 $0x108;
	_ =	swait.ge @!p0 [sflag:s8], $0x0  }
0x24: {  	s3 =	sadd.s32 $0x88, s3;
	s6 =	simm.s32 @!p1 $0x1082;
	[sflag:s4] =	ssyncset.s32 $0xFFFFF086  }
0x25: {  	[simem:s6], [sflag:s4] =	dma.local [hbm:s3], $0xF7A  }
0x26: {  	[smem:$0x3F9D] =	sst s1;
	(tag) =	ssettag s2;
	_ =	strace s9  }
0x27: {  	s1 =	sld [smem:$0x3FAD]  }
0x28: {  	s2 =	sld [smem:$0x3FAE]  }
0x29: {  	s4 =	sld [smem:$0x3FB0]  }
0x2a: {  	p0 =	seq.s32 s5, $0x0;
	s5 =	sld [smem:$0x3FB1]  }
0x2b: {  	s6 =	sld [smem:$0x3FB2]  }
0x2c: {  	s7 =	sld [smem:$0x3FB3]  }
0x2d: {  	s3 =	simm.s32 $0x108;
	s8 =	sld [smem:$0x3FB4]  }
0x2e: {  	s3 =	simm.s32 @!p0 $0x1082;
	s9 =	sld [smem:$0x3FB5]  }
0x2f: {  	lr =	sadd.s32 s0, s3;
	s0 =	sld [smem:$0x3FAC]  }
0x30: {  	s3 =	sld [smem:$0x3FAF]  }
0x31: {  	[smem:$0x3FB8] =	sst s10  }
0x32: {  	s10 =	sld [smem:$0x3FB6];
	_ =	sdelay $0x3  }
0x33: {  	p0 =	seq.s32 s10, $0x1;
	s10 =	sld [smem:$0x3FB8];
	_ =	sdelay $0x3  }
0x34: {  	[smem:$0x3FB8] =	sst s10  }
0x35: {  	s10 =	sld [smem:$0x3FB7];
	_ =	sdelay $0x3  }
0x36: {  	p1 =	seq.s32 s10, $0x1;
	s10 =	sld [smem:$0x3FB8];
	_ =	sdelay $0x3  }
0x37: {  	[smem:$0x3FB8] =	sst s10  }
0x38: {  	s10 =	sld [smem:$0x3FB9]  }
0x39: {  	_ = 	snop;
	(pc) =	sbr.ind lr, $3  }
0x3a: {  	_ = 	snop  }
0x3b: {  	_ = 	snop  }
0x3c: {  	p2 =	seq.s32 s10, $0x1;
	s10 =	sld [smem:$0x3FB8]  }
0x3d: {  	_ =	shalt  }
0x3e: {  	_ =	shalt  }
0x3f: {  	_ =	shalt  }
0x40: {  	_ =	shalt  }
0x41: {  	_ =	shalt  }
0x42: {  	_ =	shalt  }
0x43: {  	_ =	shalt  }
0x44: {  	_ =	shalt  }
0x45: {  	_ =	shalt  }
0x46: {  	_ =	shalt  }
0x47: {  	_ =	shalt  }
0x48: {  	_ =	shalt  }
0x49: {  	_ =	shalt  }
0x4a: {  	_ =	shalt  }
0x4b: {  	_ =	shalt  }
0x4c: {  	_ =	shalt  }
0x4d: {  	_ =	shalt  }
0x4e: {  	_ =	shalt  }
0x4f: {  	_ =	shalt  }
0x50: {  	_ =	shalt  }
0x51: {  	_ =	shalt  }
0x52: {  	_ =	shalt  }
0x53: {  	_ =	shalt  }
0x54: {  	_ =	shalt  }
0x55: {  	_ =	shalt  }
0x56: {  	_ =	shalt  }
0x57: {  	_ =	shalt  }
0x58: {  	_ =	shalt  }
0x59: {  	_ =	shalt  }
0x5a: {  	_ =	shalt  }
0x5b: {  	_ =	shalt  }
0x5c: {  	_ =	shalt  }
0x5d: {  	_ =	shalt  }
0x5e: {  	_ =	shalt  }
0x5f: {  	_ =	shalt  }
0x60: {  	_ =	shalt  }
0x61: {  	_ =	shalt  }
0x62: {  	_ =	shalt  }
0x63: {  	_ =	shalt  }
0x64: {  	_ =	shalt  }
0x65: {  	_ =	shalt  }
0x66: {  	_ =	shalt  }
0x67: {  	_ =	shalt  }
0x68: {  	_ =	shalt  }
0x69: {  	_ =	shalt  }
0x6a: {  	_ =	shalt  }
0x6b: {  	_ =	shalt  }
0x6c: {  	_ =	shalt  }
0x6d: {  	_ =	shalt  }
0x6e: {  	_ =	shalt  }
0x6f: {  	_ =	shalt  }
0x70: {  	_ =	shalt  }
0x71: {  	_ =	shalt  }
0x72: {  	_ =	shalt  }
0x73: {  	_ =	shalt  }
0x74: {  	_ =	shalt  }
0x75: {  	_ =	shalt  }
0x76: {  	_ =	shalt  }
0x77: {  	_ =	shalt  }
0x78: {  	_ =	shalt  }
0x79: {  	_ =	shalt  }
0x7a: {  	_ =	shalt  }
0x7b: {  	_ =	shalt  }
0x7c: {  	_ =	shalt  }
0x7d: {  	_ =	shalt  }
0x7e: {  	_ =	shalt  }
0x7f: {  	_ =	shalt  }
0x80: {  	_ =	shalt  }
0x81: {  	_ =	shalt  }
0x82: {  	_ =	shalt  }
0x83: {  	_ =	shalt  }
0x84: {  	_ =	shalt  }
0x85: {  	_ =	shalt  }
0x86: {  	_ =	shalt  }
0x87: {  	_ =	shalt  }
.Lfunc_end0:
.L_simem_size_0:
called_computation_lowered:
.L_overlay_start_0:
0x88: {  	s2 =	sld [smem:$0x3FD9]  }
0x89: {  	s3 =	sld [smem:$0x3FFE];
	_ =	sdelay $0x1  }
0x8a: {  	s1 =	srdreg.scid  }
0x8b: {  	s0 =	sand.u32 $0x1, s1  }
0x8c: {  	s17 =	sshll.u32 s0, $0xA;
	s2 =	sadd.s32 s3, s2  }
0x8d: {  	s2 =	sadd.s32 s2, s17  }
0x8e: {  	[smem:$0x3FC4] =	sst s2  }
0x8f: {  	_ = 	snop  }
0x90: {  	s2 =	sld [smem:$0x3FC9]  }
0x91: {  	s18 =	sld [smem:$0x3FD0];
	(tm) =	ssettm $0x1  }
0x92: {  	s4 =	sld [smem:$0x3FFB];
	_ =	sdelay $0x3  }
0x93: {  	_ =	strace s4  }
0x94: {  	s4 =	sld [smem:$0x3FFC];
	_ =	sdelay $0x3  }
0x95: {  	_ =	strace s4  }
0x96: {  	s4 =	sld [smem:$0x3FFD];
	_ =	sdelay $0x3  }
0x97: {  	_ =	strace s4  }
0x98: {  	_ =	strace $0x8FFFFFFF  }
0x99: {  	s19 =	sld [smem:$0x3FDB];
	_ =	sdelay $0x1  }
0x9a: {  	s5 =	simm.s32 $_scs_section_size  }
0x9b: {  	s6 =	simm.s32 $_size__tile_overlayer_lowered;
	s7 =	simm.s32 $_tile_overlayer_lowered  }
0x9c: {  	s22 =	simm.s32 $0x1BFF;
	s21 =	sshll.u32 s7, $0x1;
	s4 =	sadd.s32 s5, s19  }
0x9d: {  	s8 =	simm.s32 $0x0;
	s20 =	sshll.u32 s6, $0x1;
	s6 =	sadd.s32 s21, s4  }
0x9e: {  	[timem:s8], [sflag:s22] =	dma.local [hbm:s6], s20  }
0x9f: {  	_ =	swait.ge [sflag:s22], s20  }
0xa0: {  	s5 =	ssub.s32 $0x0, s20;
	[sflag:s22] =	ssyncset.done $0x0  }
0xa1: {  	[sflag:s22] =	ssyncadd.s32 s5;
	_ =	sdelay $0x1  }
0xa2: {  	s23 =	simm.s32 $0x1B8B  }
0xa3: {  	_ =	swait.ge [sflag:s23], $0x1  }
0xa4: {  	[sflag:s23] =	ssyncset.done $0x0  }
0xa5: {  	s25 =	simm.s32 $0x1B8E;
	s24 =	sld [smem:$0x3FFE];
	[sflag:s23] =	ssyncadd.s32 $0xFFFFFFFF  }
0xa6: {  	s26 =	simm.s32 $execute0_lowered;
	[smem:$0x3FD2] =	sst s25  }
0xa7: {  	s6 =	sshll.u32 s26, $0x1;
	_ =	strace $0x80000046;
	[dreg:$0x1] =	wrdreg $0xFFFFFFFF  }
0xa8: {  	s28 =	simm.s32 $_size_execute0_lowered;
	s4 =	sadd.s32 s4, s6;
	[dreg:$0x0] =	wrdreg $0x0  }
0xa9: {  	s6 =	sshll.u32 s28, $0x1;
	[dreg:$0x2] =	wrdreg s4  }
0xaa: {  	[dreg:$0x3] =	wrdreg s6  }
0xab: {  	[dreg:$0x4] =	wrdreg $0xC0  }
0xac: {  	_ =	task [dreg:s8], $0x5FFFF  }
0xad: {  	[dreg:$0x1] =	wrdreg $0xFFFFFFFF  }
0xae: {  	[dreg:$0x0] =	wrdreg $0x60  }
0xaf: {  	[dreg:$0x2] =	wrdreg s2  }
0xb0: {  	[dreg:$0x3] =	wrdreg s24  }
0xb1: {  	[dreg:$0x4] =	wrdreg s18  }
0xb2: {  	[dreg:$0x5] =	wrdreg $0x9  }
0xb3: {  	_ =	task.clear_ibuf [dreg:s8], $0x6FFFF;
	_ =	strace $0x90000046  }
0xb4: {  	s29 =	simm.s32 $0x9;
	_ =	strace $0x80000048  }
0xb5: {  	_ =	swait.ge [sflag:s29], $0x1  }
0xb6: {  	[sflag:s29] =	ssyncadd.s32 $0xFFFFFFFF  }
0xb7: {  	_ =	strace $0x90000048  }
0xb8: {  	_ =	sfence  }
0xb9: {  	s30 =	sld [smem:$0x0];
	_ =	sdelay $0x2  }
0xba: {  	s31 =	sshll.u32 s1, $0xD;
	s1 =	sshrl.u32 s1, $0x2  }
0xbb: {  	s3 =	sand.u32 $0x4000, s31;
	s1 =	sadd.s32 s1, s30  }
0xbc: {  	s0 =	sor.u32 s3, s0;
	s1 =	sshll.u32 s1, $0x11  }
0xbd: {  	s0 =	sor.u32 s1, s0  }
0xbe: {  	s0 =	sadd.s32 $0x8F2B, s0  }
0xbf: {  	[sflag:s0] =	ssyncadd.remote.s32 $0x1  }
0xc0: {  	_ =	sfence.sel $0xFFFF  }
0xc1: {  	[dreg:$0x0] =	wrdreg $0xFFFFFFFF;
	(pc) =	sbr.abs _section_cstart, $3  }
0xc2: {  	[dreg:$0x1] =	wrdreg $0xFFFFFFFF  }
0xc3: {  	_ =	task.clear_ibuf [dreg:s8], $0x2FFFF;
	_ =	strace $0x9FFFFFFF  }
0xc4: {  	(tm) =	ssettm $0x7FFFFFFF  }
0xc5: {  	_ =	shalt  }
tec
execute0_lowered:
.L_overlay_start_1:
0x0: {  	(tag) =	ssettag $0x1  }
0x1: {  	s0 =	rddreg [dreg:$0x0]  }
0x2: {  	s2 =	rddreg [dreg:$0x1]  }
0x3: {  	s3 =	rddreg [dreg:$0x2];
	s1 =	simm.s32 $0x0  }
0x4: {  	s4 =	srdreg.scid;
	s6 =	stileid.u32;
	s9 =	simm.s32 $0x8000  }
0x5: {  	s10 =	simm.s32 $0x10000;
	s12 =	simm.s32 $0x1;
	s13 =	simm.s32 $0x1000  }
0x6: {  	s14 =	simm.s32 $0x9000;
	s15 =	simm.s32 $0x10400;
	s16 =	simm.s32 $0x2000  }
0x7: {  	s17 =	simm.s32 $0xA000;
	s18 =	simm.s32 $0x10800;
	s19 =	simm.s32 $0x3000  }
0x8: {  	s20 =	simm.s32 $0xB000;
	s21 =	simm.s32 $0x10C00;
	s22 =	simm.s32 $0x4000  }
0x9: {  	s28 =	simm.s32 $0x11400;
	s29 =	simm.s32 $0x6000;
	s30 =	simm.s32 $0xE000  }
0xa: {  	s31 =	simm.s32 $0x11800;
	s11 =	simm.s32 $0x11C00;
	[smem:$0x7FF] =	sst s1  }
0xb: {  	s5 =	sadd.s32 $0x400, s2;
	s4 =	sand.u32 $0x1, s4;
	s6 =	sshll.u32 s6, $0xC  }
0xc: {  	s7 =	sadd.s32 $0x1400, s2;
	_ =	strace $0x80000047;
	[dreg:$0x4] =	wrdreg s5  }
0xd: {  	s2 =	sadd.s32 $0x2400, s2;
	s23 =	ssub.s32 $0x2, s4;
	[dreg:$0x5] =	wrdreg s7  }
0xe: {  	s4 =	sshll.u32 s4, $0xB;
	[dreg:$0x6] =	wrdreg s2;
	s24 =	sshrl.u32 s23, $0x1  }
0xf: {  	s2 =	simm.s32 $0xF000;
	s4 =	sor.u32 s4, s6;
	s25 =	ssub.s32 s23, s24  }
0x10: {  	s0 =	sadd.s32 s0, s4;
	s26 =	sadd.s32 s3, s4;
	s23 =	simm.s32 $0xC000  }
0x11: {  	s24 =	simm.s32 $0x11000;
	s3 =	simm.s32 $0x2;
	[dreg:$0x7] =	wrdreg s0  }
0x12: {  	v0 =	vlaneseq.u32;
	s4 =	simm.s32 $0x0;
	[dreg:$0x8] =	wrdreg s26;
	s8 =	smax.u32 s25, $0x1  }
0x13: {  	v1 =	vor.u32 $0x3F8, v0;
	s25 =	simm.s32 $0x5000;
	s26 =	simm.s32 $0xD000;
	s0 =	simm.s32 $0x7000  }
.LBB2_1:
0x14: {  	s5 =	rddreg [dreg:$0x4]  }
0x15: {  	[tilespmem:s1], [sflag:$0x1] =	stream.linear.gather [hbm4b:s5+s1], $0x8000, $0x38;
	[tilespmem:$0x1A000] =	vst v63  }
0x16: {  	s7 =	rddreg [dreg:$0x5]  }
0x17: {  	[tilespmem:s9], [sflag:$0x1] =	stream.linear.gather [hbm4b:s7+s1], $0x8000, $0x38;
	[tilespmem:$0x1A000] =	vst v63  }
0x18: {  	s6 =	rddreg [dreg:$0x6]  }
0x19: {  	[tilespmem:s10], [sflag:$0x1] =	stream.linear.gather [hbm4b:s6+s1], $0x2000, $0x38;
	[tilespmem:$0x1A000] =	vst v63  }
0x1a: {  	s7 =	rddreg [dreg:$0x7];
	s6 =	simm.s32 $0x12000  }
0x1b: {  	[tilespmem:s6], [sflag:$0x1] =	stream.linear.gather [hbm4b:s7+s1], $0x4000, $0x38;
	[tilespmem:$0x1A000] =	vst v63  }
0x1c: {  	_ =	swait.ge [sflag:s12], $0x8000  }
0x1d: {  	[sflag:s12] =	ssyncset.done $0x0  }
0x1e: {  	[sflag:s12] =	ssyncadd.s32 $0xFFFF8000  }
0x1f: {  	_ =	swait.ge [sflag:s12], $0x8000  }
0x20: {  	[sflag:s12] =	ssyncset.done $0x0  }
0x21: {  	[sflag:s12] =	ssyncadd.s32 $0xFFFF8000  }
0x22: {  	_ =	swait.ge [sflag:s12], $0x2000  }
0x23: {  	[sflag:s12] =	ssyncset.done $0x0  }
0x24: {  	[sflag:s12] =	ssyncadd.s32 $0xFFFFE000  }
0x25: {  	_ =	swait.ge [sflag:s12], $0x4000  }
0x26: {  	[sflag:s12] =	ssyncset.done $0x0  }
0x27: {  	s7 =	simm.s32 $0x12020;
	[sflag:s12] =	ssyncadd.s32 $0xFFFFC000  }
0x28: {  	v2 =	vld [tilespmem:s7+$0x10];
	_ =	sdelay $0x4  }
0x29: {  	v3 =	vshra.s32 v2, $0x12;
	_ =	sdelay $0x1  }
0x2a: {  	v4 =	vld [tilespmem:s7+$0xFFFFFFF0]  }
0x2b: {  	v12 =	vld [tilespmem:s7+$0xFFFFFFE0]  }
0x2c: {  	v11 =	vld [tilespmem:s7+$0x0]  }
0x2d: {  	v13 =	vld.idx.msk [tilespmem:v3+s29+$0x0], $0xffff  }
0x2e: {  	v14 =	vld.idx.msk [tilespmem:v3+s0+$0x0], $0xffff  }
0x2f: {  	v15 =	vld.idx.msk [tilespmem:v3+s22+$0x0], $0xffff  }
0x30: {  	v7 =	vshra.s32 v12, $0x12;
	v16 =	vld.idx.msk [tilespmem:v3+s25+$0x0], $0xffff  }
0x31: {  	v17 =	vld.idx.msk [tilespmem:v3+s16+$0x0], $0xffff  }
0x32: {  	v6 =	vshra.s32 v4, $0x12;
	v18 =	vld.idx.msk [tilespmem:v3+s19+$0x0], $0xffff  }
0x33: {  	v19 =	vld.idx.msk [tilespmem:v3+s1+$0x0], $0xffff  }
0x34: {  	v5 =	vshrl.u32 v2, $0x6;
	v20 =	vld.idx.msk [tilespmem:v3+s13+$0x0], $0xffff  }
0x35: {  	v5 =	vand.u32 $0xFFF, v5;
	v42 =	vld.idx.msk [tilespmem:v7+s1+$0x0], $0xffff  }
0x36: {  	v43 =	vld.idx.msk [tilespmem:v7+s13+$0x0], $0xffff  }
0x37: {  	v44 =	vld.idx.msk [tilespmem:v6+s1+$0x0], $0xffff  }
0x38: {  	v45 =	vld.idx.msk [tilespmem:v6+s13+$0x0], $0xffff  }
0x39: {  	v55 =	vld.idx.msk [tilespmem:v7+s22+$0x0], $0xffff  }
0x3a: {  	v21 =	vld.idx.msk [tilespmem:v5+s30+$0x0], $0xffff  }
0x3b: {  	v2 =	vshll.u32 v2, $0x4;
	v22 =	vld.idx.msk [tilespmem:v5+s2+$0x0], $0xffff  }
0x3c: {  	v2 =	vor.u32 v0, v2;
	v23 =	vld.idx.msk [tilespmem:v5+s23+$0x0], $0xffff  }
0x3d: {  	v2 =	vand.u32 v1, v2;
	v24 =	vld.idx.msk [tilespmem:v5+s26+$0x0], $0xffff  }
0x3e: {  	v25 =	vld.idx.msk [tilespmem:v5+s17+$0x0], $0xffff  }
0x3f: {  	v26 =	vld.idx.msk [tilespmem:v5+s20+$0x0], $0xffff  }
0x40: {  	v27 =	vld.idx.msk [tilespmem:v5+s9+$0x0], $0xffff  }
0x41: {  	v28 =	vld.idx.msk [tilespmem:v5+s14+$0x0], $0xffff  }
0x42: {  	v29 =	vld.idx.msk [tilespmem:v2+s31+$0x0], $0xffff  }
0x43: {  	v30 =	vld.idx.msk [tilespmem:v2+s11+$0x0], $0xffff  }
0x44: {  	v3 =	vshrl.u32 v12, $0x6;
	v31 =	vld.idx.msk [tilespmem:v2+s24+$0x0], $0xffff  }
0x45: {  	v10 =	vand.u32 $0xFFF, v3;
	v32 =	vld.idx.msk [tilespmem:v2+s28+$0x0], $0xffff  }
0x46: {  	v33 =	vld.idx.msk [tilespmem:v2+s18+$0x0], $0xffff  }
0x47: {  	v5 =	vshra.s32 v11, $0x12;
	v34 =	vld.idx.msk [tilespmem:v2+s21+$0x0], $0xffff  }
0x48: {  	v3 =	vshrl.u32 v4, $0x6;
	v35 =	vld.idx.msk [tilespmem:v2+s10+$0x0], $0xffff  }
0x49: {  	v9 =	vand.u32 $0xFFF, v3;
	v3 =	vshrl.u32 v11, $0x6;
	v36 =	vld.idx.msk [tilespmem:v2+s15+$0x0], $0xffff;
	v2 =	vshll.u32 v12, $0x4  }
0x4a: {  	v8 =	vand.u32 $0xFFF, v3;
	v2 =	vor.u32 v0, v2;
	v3 =	vshll.u32 v4, $0x4;
	v37 =	vld.idx.msk [tilespmem:v10+s9+$0x0], $0xffff  }
0x4b: {  	v11 =	vshll.u32 v11, $0x4;
	v4 =	vand.u32 v1, v2;
	v2 =	vor.u32 v0, v3;
	v38 =	vld.idx.msk [tilespmem:v10+s14+$0x0], $0xffff  }
0x4c: {  	v3 =	vand.u32 v1, v2;
	v2 =	vor.u32 v0, v11;
	v11 =	vmul.bf16 v21, v13;
	v13 =	vld.idx.msk [tilespmem:v5+s1+$0x0], $0xffff  }
0x4d: {  	v21 =	vld.idx.msk [tilespmem:v5+s13+$0x0], $0xffff  }
0x4e: {  	v58 =	vld.idx.msk [tilespmem:v10+s20+$0x0], $0xffff  }
0x4f: {  	v14 =	vmul.bf16 v22, v14;
	v63 =	vld.idx.msk [tilespmem:v5+s16+$0x0], $0xffff  }
0x50: {  	v15 =	vmul.bf16 v23, v15;
	v16 =	vmul.bf16 v24, v16;
	v48 =	vld.idx.msk [tilespmem:v10+s23+$0x0], $0xffff  }
0x51: {  	v17 =	vmul.bf16 v25, v17;
	v18 =	vmul.bf16 v26, v18;
	v50 =	vld.idx.msk [tilespmem:v10+s26+$0x0], $0xffff  }
0x52: {  	v19 =	vmul.bf16 v27, v19;
	v20 =	vmul.bf16 v28, v20;
	v39 =	vld.idx.msk [tilespmem:v9+s9+$0x0], $0xffff  }
0x53: {  	v40 =	vld.idx.msk [tilespmem:v9+s14+$0x0], $0xffff;
	v11 =	vmul.bf16 v29, v11;
	v14 =	vmul.bf16 v30, v14  }
0x54: {  	v59 =	vld.idx.msk [tilespmem:v9+s17+$0x0], $0xffff;
	v15 =	vmul.bf16 v31, v15;
	v16 =	vmul.bf16 v32, v16  }
0x55: {  	v60 =	vld.idx.msk [tilespmem:v9+s20+$0x0], $0xffff;
	v17 =	vmul.bf16 v33, v17;
	v19 =	vmul.bf16 v35, v19  }
0x56: {  	v2 =	vand.u32 v1, v2;
	v52 =	vld.idx.msk [tilespmem:v9+s26+$0x0], $0xffff;
	v20 =	vmul.bf16 v36, v20;
	v18 =	vmul.bf16 v34, v18  }
0x57: {  	v41 =	vld.idx.msk [tilespmem:v8+s9+$0x0], $0xffff;
	v28 =	vshll.u32 v15, $0x10;
	v29 =	vshll.u32 v17, $0x10;
	v31 =	vshll.u32 v19, $0x10  }
0x58: {  	v12 =	vld.idx.msk [tilespmem:v8+s14+$0x0], $0xffff;
	v19 =	vand.u32 $0xFFFF0000, v19;
	v57 =	vshll.u32 v20, $0x10;
	v20 =	vand.u32 $0xFFFF0000, v20  }
0x59: {  	v30 =	vld.idx.msk [tilespmem:v10+s17+$0x0], $0xffff;
	v17 =	vand.u32 $0xFFFF0000, v17;
	v15 =	vand.u32 $0xFFFF0000, v15;
	v31 =	vadd.f32 $0.0e+00, v31  }
0x5a: {  	v22 =	vld.idx.msk [tilespmem:v4+s10+$0x0], $0xffff;
	v19 =	vadd.f32 $0.0e+00, v19;
	v32 =	vadd.f32 $0.0e+00, v57;
	v62 =	vmul.bf16 v37, v42  }
0x5b: {  	v61 =	vld.idx.msk [tilespmem:v8+s20+$0x0], $0xffff;
	v20 =	vadd.f32 $0.0e+00, v20;
	v44 =	vmul.bf16 v39, v44;
	v46 =	vmul.bf16 v40, v45  }
0x5c: {  	v26 =	vld.idx.msk [tilespmem:v2+s10+$0x0], $0xffff;
	v29 =	vadd.f32 v29, v31;
	v31 =	vshll.u32 v18, $0x10;
	v17 =	vadd.f32 v17, v19  }
0x5d: {  	v27 =	vld.idx.msk [tilespmem:v2+s15+$0x0], $0xffff;
	v18 =	vand.u32 $0xFFFF0000, v18;
	v13 =	vmul.bf16 v41, v13;
	v12 =	vmul.bf16 v12, v21  }
0x5e: {  	v23 =	vld.idx.msk [tilespmem:v4+s15+$0x0], $0xffff;
	v31 =	vadd.f32 v31, v32;
	v18 =	vadd.f32 v18, v20;
	v20 =	vshll.u32 v16, $0x10  }
0x5f: {  	v24 =	vld.idx.msk [tilespmem:v3+s10+$0x0], $0xffff;
	v16 =	vand.u32 $0xFFFF0000, v16;
	v21 =	vmul.bf16 v22, v62;
	v28 =	vadd.f32 v28, v29  }
0x60: {  	v19 =	vld.idx.msk [tilespmem:v8+s17+$0x0], $0xffff;
	v15 =	vadd.f32 v15, v17;
	v17 =	vadd.f32 v20, v31;
	v31 =	vshll.u32 v11, $0x10  }
0x61: {  	v29 =	vld.idx.msk [tilespmem:v7+s16+$0x0], $0xffff;
	v11 =	vand.u32 $0xFFFF0000, v11;
	v16 =	vadd.f32 v16, v18;
	v13 =	vmul.bf16 v26, v13  }
0x62: {  	v20 =	vld.idx.msk [tilespmem:v7+s19+$0x0], $0xffff;
	v12 =	vmul.bf16 v27, v12;
	v28 =	vadd.f32 v31, v28;
	v31 =	vshll.u32 v14, $0x10  }
0x63: {  	v18 =	vld.idx.msk [tilespmem:v6+s16+$0x0], $0xffff;
	v11 =	vadd.f32 v11, v15;
	v14 =	vand.u32 $0xFFFF0000, v14;
	v17 =	vadd.f32 v31, v17  }
0x64: {  	v26 =	vld.idx.msk [tilespmem:v2+s18+$0x0], $0xffff;
	v14 =	vadd.f32 v14, v16;
	v16 =	vmul.bf16 v38, v43;
	v49 =	vshll.u32 v13, $0x10  }
0x65: {  	v25 =	vld.idx.msk [tilespmem:v3+s15+$0x0], $0xffff;
	v13 =	vand.u32 $0xFFFF0000, v13;
	v51 =	vshll.u32 v12, $0x10;
	v19 =	vmul.bf16 v19, v63  }
0x66: {  	v53 =	vld.idx.msk [tilespmem:v8+s23+$0x0], $0xffff;
	v12 =	vand.u32 $0xFFFF0000, v12;
	v11 =	vadd.f32 v11, v28;
	v41 =	vadd.f32 $0.0e+00, v49  }
0x67: {  	v54 =	vld.idx.msk [tilespmem:v8+s26+$0x0], $0xffff;
	v13 =	vadd.f32 $0.0e+00, v13;
	v33 =	vadd.f32 $0.0e+00, v51;
	v22 =	vmul.bf16 v23, v16  }
0x68: {  	v15 =	vld.idx.msk [tilespmem:v6+s19+$0x0], $0xffff;
	v14 =	vadd.f32 v14, v17;
	v29 =	vmul.bf16 v30, v29;
	v20 =	vmul.bf16 v58, v20  }
0x69: {  	v31 =	vld.idx.msk [tilespmem:v5+s19+$0x0], $0xffff;
	v12 =	vadd.f32 $0.0e+00, v12;
	v18 =	vmul.bf16 v59, v18;
	v19 =	vmul.bf16 v26, v19  }
0x6a: {  	v28 =	vld.idx.msk [tilespmem:v4+s18+$0x0], $0xffff;
	v16 =	vadd.f32 v14, v11;
	v11 =	vmul.bf16 v24, v44;
	v14 =	vmul.bf16 v25, v46  }
0x6b: {  	v17 =	vld.idx.msk [tilespmem:v4+s21+$0x0], $0xffff;
	v25 =	vshll.u32 v21, $0x10;
	v21 =	vand.u32 $0xFFFF0000, v21;
	v47 =	vshll.u32 v22, $0x10  }
0x6c: {  	v23 =	vld.idx.msk [tilespmem:v3+s18+$0x0], $0xffff;
	v22 =	vand.u32 $0xFFFF0000, v22;
	v25 =	vadd.f32 $0.0e+00, v25;
	v21 =	vadd.f32 $0.0e+00, v21  }
0x6d: {  	v27 =	vld.idx.msk [tilespmem:v2+s21+$0x0], $0xffff;
	v15 =	vmul.bf16 v60, v15;
	v36 =	vadd.f32 $0.0e+00, v47;
	v22 =	vadd.f32 $0.0e+00, v22  }
0x6e: {  	v24 =	vld.idx.msk [tilespmem:v3+s21+$0x0], $0xffff;
	v31 =	vmul.bf16 v61, v31;
	v38 =	vshll.u32 v11, $0x10;
	v11 =	vand.u32 $0xFFFF0000, v11  }
0x6f: {  	v30 =	vld.idx.msk [tilespmem:v9+s23+$0x0], $0xffff;
	v39 =	vshll.u32 v14, $0x10;
	v14 =	vand.u32 $0xFFFF0000, v14;
	v38 =	vadd.f32 $0.0e+00, v38  }
0x70: {  	v58 =	vld.idx.msk [tilespmem:v4+s28+$0x0], $0xffff;
	v28 =	vmul.bf16 v28, v29;
	v11 =	vadd.f32 $0.0e+00, v11;
	v39 =	vadd.f32 $0.0e+00, v39  }
0x71: {  	v29 =	vld.idx.msk [tilespmem:v7+s25+$0x0], $0xffff;
	v14 =	vadd.f32 $0.0e+00, v14;
	v17 =	vmul.bf16 v17, v20;
	v18 =	vmul.bf16 v23, v18  }
0x72: {  	v20 =	vld.idx.msk [tilespmem:v6+s22+$0x0], $0xffff;
	v27 =	vmul.bf16 v27, v31;
	v23 =	vshll.u32 v28, $0x10;
	v28 =	vand.u32 $0xFFFF0000, v28  }
0x73: {  	v31 =	vld.idx.msk [tilespmem:v5+s22+$0x0], $0xffff;
	v15 =	vmul.bf16 v24, v15;
	v26 =	vshll.u32 v17, $0x10;
	v17 =	vand.u32 $0xFFFF0000, v17  }
0x74: {  	v24 =	vld.idx.msk [tilespmem:v6+s25+$0x0], $0xffff;
	v56 =	vadd.f32 v23, v25;
	v28 =	vadd.f32 v28, v21;
	v21 =	vshll.u32 v18, $0x10  }
0x75: {  	v25 =	vld.idx.msk [tilespmem:v5+s25+$0x0], $0xffff;
	v18 =	vand.u32 $0xFFFF0000, v18;
	v36 =	vadd.f32 v26, v36;
	v57 =	vadd.f32 v17, v22  }
0x76: {  	v23 =	vld.idx.msk [tilespmem:v10+s30+$0x0], $0xffff;
	v38 =	vadd.f32 v21, v38;
	v46 =	vadd.f32 v18, v11  }
0x77: {  	v10 =	vld.idx.msk [tilespmem:v10+s2+$0x0], $0xffff;
	v18 =	vand.u32 $0xFFFF0000, v19;
	v22 =	vand.u32 $0xFFFF0000, v27;
	v17 =	vshll.u32 v15, $0x10  }
0x78: {  	v26 =	vld.idx.msk [tilespmem:v4+s24+$0x0], $0xffff;
	v15 =	vand.u32 $0xFFFF0000, v15;
	v47 =	vadd.f32 v18, v13;
	v18 =	vmul.bf16 v48, v55  }
0x79: {  	v11 =	vld.idx.msk [tilespmem:v3+s24+$0x0], $0xffff;
	v22 =	vadd.f32 v22, v12;
	v39 =	vadd.f32 v17, v39;
	v17 =	vshll.u32 v19, $0x10  }
0x7a: {  	v13 =	vld.idx.msk [tilespmem:v2+s24+$0x0], $0xffff;
	v15 =	vadd.f32 v15, v14;
	v19 =	vmul.bf16 v50, v29;
	v20 =	vmul.bf16 v30, v20  }
0x7b: {  	v14 =	vld.idx.msk [tilespmem:v3+s28+$0x0], $0xffff;
	v12 =	vmul.bf16 v53, v31;
	v41 =	vadd.f32 v17, v41;
	v17 =	vshll.u32 v27, $0x10  }
0x7c: {  	v21 =	vadd.f32 v17, v33;
	v17 =	vld.idx.msk [tilespmem:v2+s28+$0x0], $0xffff;
	v27 =	vmul.bf16 v52, v24;
	v19 =	vmul.bf16 v58, v19  }
0x7d: {  	v24 =	vld.idx.msk [tilespmem:v9+s30+$0x0], $0xffff;
	v29 =	vmul.bf16 v54, v25;
	v18 =	vmul.bf16 v26, v18  }
0x7e: {  	v9 =	vld.idx.msk [tilespmem:v9+s2+$0x0], $0xffff;
	v11 =	vmul.bf16 v11, v20;
	v20 =	vshll.u32 v19, $0x10;
	v19 =	vand.u32 $0xFFFF0000, v19  }
0x7f: {  	v25 =	vld.idx.msk [tilespmem:v8+s30+$0x0], $0xffff;
	v60 =	vmul.bf16 v13, v12;
	v30 =	vshll.u32 v18, $0x10;
	v18 =	vand.u32 $0xFFFF0000, v18  }
0x80: {  	v8 =	vld.idx.msk [tilespmem:v8+s2+$0x0], $0xffff;
	v14 =	vmul.bf16 v14, v27;
	v31 =	vshll.u32 v11, $0x10;
	v13 =	vadd.f32 v19, v57  }
0x81: {  	v26 =	vld.idx.msk [tilespmem:v7+s29+$0x0], $0xffff;
	v59 =	vand.u32 $0xFFFF0000, v11;
	v12 =	vadd.f32 v30, v56;
	v11 =	vadd.f32 v18, v28  }
0x82: {  	v7 =	vld.idx.msk [tilespmem:v7+s0+$0x0], $0xffff;
	v63 =	vshll.u32 v60, $0x10;
	v33 =	vand.u32 $0xFFFF0000, v60;
	v18 =	vadd.f32 v31, v38  }
0x83: {  	v27 =	vld.idx.msk [tilespmem:v6+s29+$0x0], $0xffff;
	v61 =	vshll.u32 v14, $0x10;
	v37 =	vmul.bf16 v17, v29;
	v17 =	vadd.f32 v20, v36  }
0x84: {  	s5 =	simm.s32 $0x16020;
	v6 =	vld.idx.msk [tilespmem:v6+s0+$0x0], $0xffff;
	v62 =	vand.u32 $0xFFFF0000, v14;
	v14 =	vadd.f32 v59, v46;
	v20 =	vadd.f32 v63, v41  }
0x85: {  	[tilespmem:s5+$0x10] =	vst v16;
	v29 =	vld.idx.msk [tilespmem:v5+s29+$0x0], $0xffff;
	v16 =	vadd.f32 v33, v47;
	v19 =	vadd.f32 v61, v39  }
0x86: {  	s6 =	simm.s32 $0x0;
	s7 =	simm.s32 $0x12060;
	v5 =	vld.idx.msk [tilespmem:v5+s0+$0x0], $0xffff;
	v15 =	vadd.f32 v62, v15;
	v28 =	vshll.u32 v37, $0x10;
	v30 =	vand.u32 $0xFFFF0000, v37  }
.LBB2_2:
0x87: {  	v31 =	vld [tilespmem:s7+$0x10];
	v23 =	vmul.bf16 v23, v26;
	v21 =	vadd.f32 v28, v21;
	v22 =	vadd.f32 v30, v22  }
0x88: {  	v28 =	vmul.bf16 v10, v7;
	v26 =	vld [tilespmem:s7+$0xFFFFFFF0]  }
0x89: {  	v24 =	vmul.bf16 v24, v27;
	v30 =	vld [tilespmem:s7+$0x0]  }
0x8a: {  	v27 =	vmul.bf16 v9, v6;
	v10 =	vld [tilespmem:s7+$0xFFFFFFE0]  }
0x8b: {  	v25 =	vmul.bf16 v25, v29;
	v32 =	vld.idx.msk [tilespmem:v4+s31+$0x0], $0xffff  }
0x8c: {  	v34 =	vmul.bf16 v8, v5;
	v29 =	vshra.s32 v31, $0x12;
	v33 =	vld.idx.msk [tilespmem:v4+s11+$0x0], $0xffff  }
0x8d: {  	v6 =	vshra.s32 v26, $0x12;
	v4 =	vshrl.u32 v26, $0x6;
	v26 =	vshll.u32 v26, $0x4;
	v35 =	vld.idx.msk [tilespmem:v3+s31+$0x0], $0xffff  }
0x8e: {  	v9 =	vand.u32 $0xFFF, v4;
	v5 =	vshra.s32 v30, $0x12;
	v4 =	vshrl.u32 v30, $0x6;
	v36 =	vld.idx.msk [tilespmem:v3+s11+$0x0], $0xffff  }
0x8f: {  	v7 =	vshra.s32 v10, $0x12;
	v3 =	vshrl.u32 v10, $0x6;
	v8 =	vand.u32 $0xFFF, v4;
	v37 =	vld.idx.msk [tilespmem:v2+s31+$0x0], $0xffff  }
0x90: {  	v4 =	vshll.u32 v10, $0x4;
	v10 =	vand.u32 $0xFFF, v3;
	v3 =	vshll.u32 v30, $0x4;
	v30 =	vld.idx.msk [tilespmem:v2+s11+$0x0], $0xffff  }
0x91: {  	v26 =	vor.u32 v0, v26;
	v2 =	vor.u32 v0, v4;
	v38 =	vor.u32 v0, v3;
	v39 =	vld.idx.msk [tilespmem:v29+s29+$0x0], $0xffff  }
0x92: {  	v4 =	vand.u32 v1, v2;
	v3 =	vand.u32 v1, v26;
	v2 =	vand.u32 v1, v38;
	v26 =	vld.idx.msk [tilespmem:v29+s0+$0x0], $0xffff  }
0x93: {  	v23 =	vmul.bf16 v32, v23;
	v28 =	vmul.bf16 v33, v28;
	v38 =	vshrl.u32 v31, $0x6;
	v40 =	vld.idx.msk [tilespmem:v29+s22+$0x0], $0xffff  }
0x94: {  	v24 =	vmul.bf16 v35, v24;
	v32 =	vand.u32 $0xFFF, v38;
	v27 =	vmul.bf16 v36, v27;
	v33 =	vld.idx.msk [tilespmem:v29+s25+$0x0], $0xffff  }
0x95: {  	v36 =	vshll.u32 v23, $0x10;
	v23 =	vand.u32 $0xFFFF0000, v23;
	v25 =	vmul.bf16 v37, v25;
	v35 =	vld.idx.msk [tilespmem:v29+s16+$0x0], $0xffff  }
0x96: {  	v38 =	vshll.u32 v28, $0x10;
	v28 =	vand.u32 $0xFFFF0000, v28;
	v30 =	vmul.bf16 v30, v34;
	v37 =	vld.idx.msk [tilespmem:v29+s19+$0x0], $0xffff  }
0x97: {  	v41 =	vshll.u32 v24, $0x10;
	v24 =	vand.u32 $0xFFFF0000, v24;
	v42 =	vshll.u32 v27, $0x10;
	v34 =	vld.idx.msk [tilespmem:v29+s1+$0x0], $0xffff  }
0x98: {  	v27 =	vand.u32 $0xFFFF0000, v27;
	v43 =	vshll.u32 v25, $0x10;
	v25 =	vand.u32 $0xFFFF0000, v25;
	v29 =	vld.idx.msk [tilespmem:v29+s13+$0x0], $0xffff  }
0x99: {  	v12 =	vadd.f32 v36, v12;
	v36 =	vshll.u32 v30, $0x10;
	v30 =	vand.u32 $0xFFFF0000, v30;
	v44 =	vld.idx.msk [tilespmem:v32+s30+$0x0], $0xffff  }
0x9a: {  	v31 =	vshll.u32 v31, $0x4;
	v11 =	vadd.f32 v23, v11;
	v17 =	vadd.f32 v38, v17;
	v45 =	vld.idx.msk [tilespmem:v32+s2+$0x0], $0xffff  }
0x9b: {  	v23 =	vor.u32 v0, v31;
	v13 =	vadd.f32 v28, v13;
	v18 =	vadd.f32 v41, v18;
	v31 =	vld.idx.msk [tilespmem:v32+s23+$0x0], $0xffff  }
0x9c: {  	v23 =	vand.u32 v1, v23;
	v14 =	vadd.f32 v24, v14;
	v19 =	vadd.f32 v42, v19;
	v28 =	vld.idx.msk [tilespmem:v32+s26+$0x0], $0xffff  }
0x9d: {  	s6 =	sadd.s32 $0x4, s6;
	v15 =	vadd.f32 v27, v15;
	v20 =	vadd.f32 v43, v20;
	v24 =	vld.idx.msk [tilespmem:v32+s17+$0x0], $0xffff  }
0x9e: {  	p0 =	slt.u32 s6, $0x3FC;
	v16 =	vadd.f32 v25, v16;
	v21 =	vadd.f32 v36, v21;
	v27 =	vld.idx.msk [tilespmem:v32+s20+$0x0], $0xffff  }
0x9f: {  	v11 =	vadd.f32 v11, v12;
	v12 =	vadd.f32 v30, v22;
	v25 =	vld.idx.msk [tilespmem:v32+s9+$0x0], $0xffff  }
0xa0: {  	v13 =	vadd.f32 v13, v17;
	v14 =	vadd.f32 v14, v18;
	v22 =	vld.idx.msk [tilespmem:v32+s14+$0x0], $0xffff  }
0xa1: {  	v15 =	vadd.f32 v15, v19;
	v16 =	vadd.f32 v16, v20;
	v17 =	vld.idx.msk [tilespmem:v23+s31+$0x0], $0xffff  }
0xa2: {  	v11 =	vadd.f32 v13, v11;
	v12 =	vadd.f32 v12, v21;
	v18 =	vld.idx.msk [tilespmem:v23+s11+$0x0], $0xffff  }
0xa3: {  	v14 =	vadd.f32 v15, v14;
	v13 =	vld.idx.msk [tilespmem:v23+s24+$0x0], $0xffff  }
0xa4: {  	v15 =	vld.idx.msk [tilespmem:v23+s28+$0x0], $0xffff;
	[tilespmem:s5+$0xFFFFFFE0] =	vst v11;
	v11 =	vadd.f32 v12, v16  }
0xa5: {  	v12 =	vld.idx.msk [tilespmem:v23+s18+$0x0], $0xffff;
	[tilespmem:s5+$0xFFFFFFF0] =	vst v14  }
0xa6: {  	v14 =	vld.idx.msk [tilespmem:v23+s21+$0x0], $0xffff;
	[tilespmem:s5+$0x0] =	vst v11  }
0xa7: {  	v19 =	vmul.bf16 v45, v26;
	v16 =	vmul.bf16 v44, v39;
	v11 =	vld.idx.msk [tilespmem:v23+s10+$0x0], $0xffff  }
0xa8: {  	v21 =	vmul.bf16 v31, v40;
	v20 =	vld.idx.msk [tilespmem:v23+s15+$0x0], $0xffff;
	v23 =	vmul.bf16 v28, v33  }
0xa9: {  	v24 =	vmul.bf16 v24, v35;
	v27 =	vmul.bf16 v27, v37;
	v26 =	vld.idx.msk [tilespmem:v10+s9+$0x0], $0xffff  }
0xaa: {  	v25 =	vmul.bf16 v25, v34;
	v22 =	vmul.bf16 v22, v29;
	v28 =	vld.idx.msk [tilespmem:v10+s14+$0x0], $0xffff  }
0xab: {  	v16 =	vmul.bf16 v17, v16;
	v17 =	vmul.bf16 v18, v19;
	v29 =	vld.idx.msk [tilespmem:v9+s9+$0x0], $0xffff  }
0xac: {  	v13 =	vmul.bf16 v13, v21;
	v15 =	vmul.bf16 v15, v23;
	v18 =	vld.idx.msk [tilespmem:v9+s14+$0x0], $0xffff  }
0xad: {  	v12 =	vmul.bf16 v12, v24;
	v14 =	vmul.bf16 v14, v27;
	v19 =	vld.idx.msk [tilespmem:v8+s9+$0x0], $0xffff  }
0xae: {  	v11 =	vmul.bf16 v11, v25;
	v20 =	vmul.bf16 v20, v22;
	v21 =	vld.idx.msk [tilespmem:v8+s14+$0x0], $0xffff  }
0xaf: {  	v23 =	vshll.u32 v13, $0x10;
	v24 =	vshll.u32 v16, $0x10;
	v16 =	vand.u32 $0xFFFF0000, v16;
	v22 =	vld.idx.msk [tilespmem:v7+s1+$0x0], $0xffff  }
0xb0: {  	v13 =	vand.u32 $0xFFFF0000, v13;
	v27 =	vshll.u32 v12, $0x10;
	v12 =	vand.u32 $0xFFFF0000, v12;
	v25 =	vld.idx.msk [tilespmem:v7+s13+$0x0], $0xffff  }
0xb1: {  	v31 =	vshll.u32 v11, $0x10;
	v11 =	vand.u32 $0xFFFF0000, v11;
	v32 =	vshll.u32 v20, $0x10;
	v30 =	vld.idx.msk [tilespmem:v6+s1+$0x0], $0xffff  }
0xb2: {  	v31 =	vadd.f32 $0.0e+00, v31;
	v11 =	vadd.f32 $0.0e+00, v11;
	v20 =	vand.u32 $0xFFFF0000, v20;
	v33 =	vld.idx.msk [tilespmem:v6+s13+$0x0], $0xffff  }
0xb3: {  	v35 =	vshll.u32 v14, $0x10;
	v32 =	vadd.f32 $0.0e+00, v32;
	v20 =	vadd.f32 $0.0e+00, v20;
	v34 =	vld.idx.msk [tilespmem:v5+s1+$0x0], $0xffff  }
0xb4: {  	v27 =	vadd.f32 v27, v31;
	v11 =	vadd.f32 v12, v11;
	v12 =	vand.u32 $0xFFFF0000, v14;
	v36 =	vld.idx.msk [tilespmem:v5+s13+$0x0], $0xffff  }
0xb5: {  	v31 =	vadd.f32 v35, v32;
	v12 =	vadd.f32 v12, v20;
	v20 =	vshll.u32 v15, $0x10;
	v14 =	vld.idx.msk [tilespmem:v4+s10+$0x0], $0xffff  }
0xb6: {  	v23 =	vadd.f32 v23, v27;
	v11 =	vadd.f32 v13, v11;
	v13 =	vand.u32 $0xFFFF0000, v15;
	v32 =	vld.idx.msk [tilespmem:v4+s15+$0x0], $0xffff  }
0xb7: {  	v20 =	vadd.f32 v20, v31;
	v12 =	vadd.f32 v13, v12;
	v13 =	vshll.u32 v17, $0x10;
	v15 =	vld.idx.msk [tilespmem:v3+s10+$0x0], $0xffff  }
0xb8: {  	v23 =	vadd.f32 v24, v23;
	v11 =	vadd.f32 v16, v11;
	v16 =	vand.u32 $0xFFFF0000, v17;
	v27 =	vld.idx.msk [tilespmem:v3+s15+$0x0], $0xffff  }
0xb9: {  	v17 =	vmul.bf16 v26, v22;
	v13 =	vadd.f32 v13, v20;
	v12 =	vadd.f32 v16, v12;
	v22 =	vld.idx.msk [tilespmem:v2+s10+$0x0], $0xffff  }
0xba: {  	v16 =	vmul.bf16 v28, v25;
	v20 =	vmul.bf16 v29, v30;
	v24 =	vld.idx.msk [tilespmem:v2+s15+$0x0], $0xffff  }
0xbb: {  	v18 =	vmul.bf16 v18, v33;
	v11 =	vadd.f32 v11, v23;
	v12 =	vadd.f32 v12, v13;
	v25 =	vld.idx.msk [tilespmem:v10+s17+$0x0], $0xffff  }
0xbc: {  	v19 =	vmul.bf16 v19, v34;
	v21 =	vmul.bf16 v21, v36;
	v13 =	vld.idx.msk [tilespmem:v10+s20+$0x0], $0xffff  }
0xbd: {  	v14 =	vmul.bf16 v14, v17;
	v11 =	vadd.f32 v12, v11;
	v16 =	vmul.bf16 v32, v16;
	v17 =	vld.idx.msk [tilespmem:v9+s17+$0x0], $0xffff  }
0xbe: {  	s5 =	sadd.s32 $0x40, s5;
	v12 =	vmul.bf16 v15, v20;
	v15 =	vmul.bf16 v27, v18;
	v18 =	vld.idx.msk [tilespmem:v9+s20+$0x0], $0xffff  }
0xbf: {  	v20 =	vshll.u32 v14, $0x10;
	v14 =	vand.u32 $0xFFFF0000, v14;
	v19 =	vmul.bf16 v22, v19;
	v22 =	vld.idx.msk [tilespmem:v8+s17+$0x0], $0xffff;
	[tilespmem:s5+$0x10] =	vst v11  }
0xc0: {  	v11 =	vshll.u32 v16, $0x10;
	v16 =	vand.u32 $0xFFFF0000, v16;
	v21 =	vmul.bf16 v24, v21;
	v23 =	vld.idx.msk [tilespmem:v8+s20+$0x0], $0xffff  }
0xc1: {  	v26 =	vshll.u32 v12, $0x10;
	v12 =	vand.u32 $0xFFFF0000, v12;
	v27 =	vshll.u32 v15, $0x10;
	v24 =	vld.idx.msk [tilespmem:v7+s16+$0x0], $0xffff  }
0xc2: {  	v15 =	vand.u32 $0xFFFF0000, v15;
	v29 =	vshll.u32 v19, $0x10;
	v19 =	vand.u32 $0xFFFF0000, v19;
	v28 =	vld.idx.msk [tilespmem:v7+s19+$0x0], $0xffff  }
0xc3: {  	v20 =	vadd.f32 $0.0e+00, v20;
	v31 =	vshll.u32 v21, $0x10;
	v21 =	vand.u32 $0xFFFF0000, v21;
	v30 =	vld.idx.msk [tilespmem:v6+s16+$0x0], $0xffff  }
0xc4: {  	v14 =	vadd.f32 $0.0e+00, v14;
	v11 =	vadd.f32 $0.0e+00, v11;
	v32 =	vld.idx.msk [tilespmem:v6+s19+$0x0], $0xffff  }
0xc5: {  	v26 =	vadd.f32 $0.0e+00, v26;
	v16 =	vadd.f32 $0.0e+00, v16;
	v33 =	vld.idx.msk [tilespmem:v5+s16+$0x0], $0xffff  }
0xc6: {  	v12 =	vadd.f32 $0.0e+00, v12;
	v27 =	vadd.f32 $0.0e+00, v27;
	v34 =	vld.idx.msk [tilespmem:v5+s19+$0x0], $0xffff  }
0xc7: {  	v15 =	vadd.f32 $0.0e+00, v15;
	v24 =	vmul.bf16 v25, v24;
	v25 =	vadd.f32 $0.0e+00, v29;
	v35 =	vld.idx.msk [tilespmem:v4+s18+$0x0], $0xffff  }
0xc8: {  	v19 =	vadd.f32 $0.0e+00, v19;
	v13 =	vmul.bf16 v13, v28;
	v28 =	vadd.f32 $0.0e+00, v31;
	v29 =	vld.idx.msk [tilespmem:v4+s21+$0x0], $0xffff  }
0xc9: {  	v17 =	vmul.bf16 v17, v30;
	v30 =	vadd.f32 $0.0e+00, v21;
	v31 =	vld.idx.msk [tilespmem:v3+s18+$0x0], $0xffff  }
0xca: {  	v18 =	vmul.bf16 v18, v32;
	v21 =	vld.idx.msk [tilespmem:v3+s21+$0x0], $0xffff  }
0xcb: {  	v22 =	vmul.bf16 v22, v33;
	v32 =	vld.idx.msk [tilespmem:v2+s18+$0x0], $0xffff  }
0xcc: {  	v23 =	vmul.bf16 v23, v34;
	v33 =	vld.idx.msk [tilespmem:v2+s21+$0x0], $0xffff  }
0xcd: {  	v24 =	vmul.bf16 v35, v24;
	v34 =	vld.idx.msk [tilespmem:v10+s23+$0x0], $0xffff  }
0xce: {  	v13 =	vmul.bf16 v29, v13;
	v29 =	vld.idx.msk [tilespmem:v10+s26+$0x0], $0xffff  }
0xcf: {  	v35 =	vshll.u32 v24, $0x10;
	v24 =	vand.u32 $0xFFFF0000, v24;
	v17 =	vmul.bf16 v31, v17;
	v31 =	vld.idx.msk [tilespmem:v9+s23+$0x0], $0xffff  }
0xd0: {  	v36 =	vshll.u32 v13, $0x10;
	v13 =	vand.u32 $0xFFFF0000, v13;
	v18 =	vmul.bf16 v21, v18;
	v37 =	vld.idx.msk [tilespmem:v9+s26+$0x0], $0xffff  }
0xd1: {  	v21 =	vshll.u32 v17, $0x10;
	v17 =	vand.u32 $0xFFFF0000, v17;
	v22 =	vmul.bf16 v32, v22;
	v32 =	vld.idx.msk [tilespmem:v8+s23+$0x0], $0xffff  }
0xd2: {  	v38 =	vshll.u32 v18, $0x10;
	v18 =	vand.u32 $0xFFFF0000, v18;
	v23 =	vmul.bf16 v33, v23;
	v33 =	vld.idx.msk [tilespmem:v8+s26+$0x0], $0xffff  }
0xd3: {  	v20 =	vadd.f32 v35, v20;
	v39 =	vshll.u32 v22, $0x10;
	v22 =	vand.u32 $0xFFFF0000, v22;
	v35 =	vld.idx.msk [tilespmem:v7+s22+$0x0], $0xffff  }
0xd4: {  	v14 =	vadd.f32 v24, v14;
	v40 =	vshll.u32 v23, $0x10;
	v23 =	vand.u32 $0xFFFF0000, v23;
	v24 =	vld.idx.msk [tilespmem:v7+s25+$0x0], $0xffff  }
0xd5: {  	v36 =	vadd.f32 v36, v11;
	v13 =	vadd.f32 v13, v16;
	v11 =	vld.idx.msk [tilespmem:v6+s22+$0x0], $0xffff  }
0xd6: {  	v16 =	vadd.f32 v21, v26;
	v41 =	vadd.f32 v17, v12;
	v12 =	vld.idx.msk [tilespmem:v6+s25+$0x0], $0xffff  }
0xd7: {  	v38 =	vadd.f32 v38, v27;
	v15 =	vadd.f32 v18, v15;
	v17 =	vld.idx.msk [tilespmem:v5+s22+$0x0], $0xffff  }
0xd8: {  	v39 =	vadd.f32 v39, v25;
	v42 =	vadd.f32 v22, v19;
	v18 =	vld.idx.msk [tilespmem:v5+s25+$0x0], $0xffff  }
0xd9: {  	v21 =	vadd.f32 v40, v28;
	v22 =	vadd.f32 v23, v30;
	v25 =	vmul.bf16 v34, v35;
	v19 =	vld.idx.msk [tilespmem:v4+s24+$0x0], $0xffff  }
0xda: {  	v24 =	vmul.bf16 v29, v24;
	v26 =	vld.idx.msk [tilespmem:v4+s28+$0x0], $0xffff  }
0xdb: {  	v11 =	vmul.bf16 v31, v11;
	v27 =	vld.idx.msk [tilespmem:v3+s24+$0x0], $0xffff  }
0xdc: {  	v12 =	vmul.bf16 v37, v12;
	v28 =	vld.idx.msk [tilespmem:v3+s28+$0x0], $0xffff  }
0xdd: {  	v17 =	vmul.bf16 v32, v17;
	v29 =	vld.idx.msk [tilespmem:v2+s24+$0x0], $0xffff  }
0xde: {  	v18 =	vmul.bf16 v33, v18;
	v30 =	vld.idx.msk [tilespmem:v2+s28+$0x0], $0xffff  }
0xdf: {  	v19 =	vmul.bf16 v19, v25;
	v23 =	vld.idx.msk [tilespmem:v10+s30+$0x0], $0xffff  }
0xe0: {  	v25 =	vmul.bf16 v26, v24;
	v10 =	vld.idx.msk [tilespmem:v10+s2+$0x0], $0xffff  }
0xe1: {  	v26 =	vshll.u32 v19, $0x10;
	v19 =	vand.u32 $0xFFFF0000, v19;
	v11 =	vmul.bf16 v27, v11;
	v24 =	vld.idx.msk [tilespmem:v9+s30+$0x0], $0xffff  }
0xe2: {  	v27 =	vshll.u32 v25, $0x10;
	v31 =	vand.u32 $0xFFFF0000, v25;
	v12 =	vmul.bf16 v28, v12;
	v9 =	vld.idx.msk [tilespmem:v9+s2+$0x0], $0xffff  }
0xe3: {  	v32 =	vshll.u32 v11, $0x10;
	v33 =	vand.u32 $0xFFFF0000, v11;
	v11 =	vmul.bf16 v29, v17;
	v25 =	vld.idx.msk [tilespmem:v8+s30+$0x0], $0xffff  }
0xe4: {  	v29 =	vshll.u32 v12, $0x10;
	v34 =	vand.u32 $0xFFFF0000, v12;
	v17 =	vmul.bf16 v30, v18;
	v8 =	vld.idx.msk [tilespmem:v8+s2+$0x0], $0xffff  }
0xe5: {  	v12 =	vadd.f32 v26, v20;
	v20 =	vshll.u32 v11, $0x10;
	v35 =	vand.u32 $0xFFFF0000, v11;
	v26 =	vld.idx.msk [tilespmem:v7+s29+$0x0], $0xffff  }
.Ltmp0:
0xe6: {  	v11 =	vadd.f32 v19, v14;
	v28 =	vshll.u32 v17, $0x10;
	v30 =	vand.u32 $0xFFFF0000, v17;
	v7 =	vld.idx.msk [tilespmem:v7+s0+$0x0], $0xffff;
	(pc) =	sbr.rel @p0 .LBB2_2-.Ltmp0, $4  }
0xe7: {  	v13 =	vadd.f32 v31, v13;
	v17 =	vadd.f32 v27, v36;
	v27 =	vld.idx.msk [tilespmem:v6+s29+$0x0], $0xffff  }
0xe8: {  	v18 =	vadd.f32 v32, v16;
	v14 =	vadd.f32 v33, v41;
	v6 =	vld.idx.msk [tilespmem:v6+s0+$0x0], $0xffff  }
0xe9: {  	v19 =	vadd.f32 v29, v38;
	v15 =	vadd.f32 v34, v15;
	v29 =	vld.idx.msk [tilespmem:v5+s29+$0x0], $0xffff  }
0xea: {  	s7 =	sadd.s32 $0x40, s7;
	v20 =	vadd.f32 v20, v39;
	v16 =	vadd.f32 v35, v42;
	v5 =	vld.idx.msk [tilespmem:v5+s0+$0x0], $0xffff  }
0xeb: {  	_ =	sdelay $0x3  }
0xec: {  	v31 =	vld.idx.msk [tilespmem:v4+s31+$0x0], $0xffff  }
0xed: {  	v49 =	vld.idx.msk [tilespmem:v4+s11+$0x0], $0xffff  }
0xee: {  	v32 =	vld.idx.msk [tilespmem:v3+s31+$0x0], $0xffff  }
0xef: {  	v3 =	vld.idx.msk [tilespmem:v3+s11+$0x0], $0xffff  }
0xf0: {  	v23 =	vmul.bf16 v23, v26;
	v50 =	vld.idx.msk [tilespmem:v2+s31+$0x0], $0xffff  }
0xf1: {  	v7 =	vmul.bf16 v10, v7;
	v2 =	vld.idx.msk [tilespmem:v2+s11+$0x0], $0xffff;
	v24 =	vmul.bf16 v24, v27  }
0xf2: {  	v6 =	vmul.bf16 v9, v6;
	v52 =	vmul.bf16 v25, v29  }
0xf3: {  	v5 =	vmul.bf16 v8, v5;
	v23 =	vmul.bf16 v31, v23  }
0xf4: {  	v51 =	vadd.f32 v28, v21;
	v4 =	vmul.bf16 v49, v7;
	v53 =	vmul.bf16 v32, v24  }
0xf5: {  	v22 =	vadd.f32 v30, v22;
	v3 =	vmul.bf16 v3, v6;
	v10 =	vmul.bf16 v50, v52  }
0xf6: {  	v2 =	vmul.bf16 v2, v5;
	v54 =	vshll.u32 v23, $0x10;
	v55 =	vand.u32 $0xFFFF0000, v23  }
0xf7: {  	v56 =	vshll.u32 v4, $0x10;
	v4 =	vand.u32 $0xFFFF0000, v4;
	v57 =	vshll.u32 v53, $0x10  }
0xf8: {  	v7 =	vand.u32 $0xFFFF0000, v53;
	v58 =	vshll.u32 v3, $0x10;
	v6 =	vadd.f32 v54, v12  }
0xf9: {  	v3 =	vand.u32 $0xFFFF0000, v3;
	v8 =	vadd.f32 v55, v11;
	v59 =	vadd.f32 v56, v17  }
0xfa: {  	v60 =	vshll.u32 v10, $0x10;
	v4 =	vadd.f32 v4, v13;
	v5 =	vadd.f32 v57, v18  }
0xfb: {  	v10 =	vand.u32 $0xFFFF0000, v10;
	v7 =	vadd.f32 v7, v14;
	v61 =	vadd.f32 v58, v19  }
0xfc: {  	v62 =	vshll.u32 v2, $0x10;
	v3 =	vadd.f32 v3, v15;
	v12 =	vadd.f32 v60, v20  }
0xfd: {  	v2 =	vand.u32 $0xFFFF0000, v2;
	v10 =	vadd.f32 v10, v16;
	v9 =	vadd.f32 v62, v51  }
0xfe: {  	v2 =	vadd.f32 v2, v22;
	v6 =	vadd.f32 v8, v6  }
0xff: {  	v4 =	vadd.f32 v4, v59;
	v5 =	vadd.f32 v7, v5  }
0x100: {  	v3 =	vadd.f32 v3, v61;
	v63 =	vadd.f32 v10, v12  }
0x101: {  	v2 =	vadd.f32 v2, v9;
	v4 =	vadd.f32 v4, v6  }
0x102: {  	v3 =	vadd.f32 v3, v5  }
0x103: {  	v2 =	vadd.f32 v2, v63;
	[tilespmem:s5+$0xFFFFFFE0] =	vst v4  }
0x104: {  	s4 =	sadd.s32 $0x1, s4;
	[tilespmem:s5+$0xFFFFFFF0] =	vst v3  }
0x105: {  	p0 =	sne.s32 s4, s8;
	[tilespmem:s5+$0x0] =	vst v2  }
.Ltmp1:
0x106: {  	s6 =	simm.s32 $0x16000;
	s5 =	rddreg [dreg:$0x8];
	(pc) =	sbr.rel @p0 .LBB2_1-.Ltmp1, $4  }
0x107: {  	[hbm4b:s5+s1] =	stream.linear.scatter [tilespmem:s6], [sflag:$0x2], $0x4000, $0x38;
	[tilespmem:$0x1A000] =	vst v63  }
0x108: {  	_ =	swait.ge [sflag:s3], $0x4000  }
0x109: {  	[sflag:s3] =	ssyncset.done $0x0  }
0x10a: {  	[sflag:s3] =	ssyncadd.s32 $0xFFFFC000  }
0x10b: {  	_ =	sfence.sel $0x180000  }
0x10c: {  	[bflag:$0x0] =	sbarrier.arrive $0xFFFF  }
0x10d: {  	_ =	strace $0x90000047  }
0x10e: {  	s0 =	stileid.u32;
	[bflag:$0x2] =	sbarrier.arrive $0xFFFF  }
0x10f: {  	p0 =	sne.s32 s0, $0x0;
	s0 =	rddreg [dreg:$0x3]  }
0x110: {  	s0 =	sadd.s32 @!p0 $0x100000, s0  }
0x111: {  	[sflag:s0] =	ssyncadd.tile.s32 @!p0 $0x1;
	_ =	shalt  }
.Lfunc_end2:
_tile_overlayer_lowered:
.L_overlay_start_2:
0x112: {  	(tag) =	ssettag $0x2  }
0x113: {  	s0 =	rddreg [dreg:$0x0];
	s2 =	stileid.u32  }
0x114: {  	s1 =	rddreg [dreg:$0x1];
	p0 =	sne.s32 s2, $0x0  }
0x115: {  	s3 =	rddreg [dreg:$0x2];
	[bflag:$0x3] =	sbarrier.arrive $0xFFFF;
	s2 =	simm.s32 @!p0 $0x1C02  }
0x116: {  	[timem:s3], [sflag:s2] =	dma.local @!p0 [hbm:s0], s1  }
0x117: {  	s0 =	simm.s32 @!p0 $0x2  }
0x118: {  	_ =	swait.ge @!p0 [sflag:s0], s1  }
0x119: {  	s1 =	ssub.s32 @!p0 $0x0, s1;
	[sflag:s0] =	ssyncset.done @!p0 $0x0  }
0x11a: {  	[sflag:s0] =	ssyncadd.s32 @!p0 s1  }
0x11b: {  	[bflag:$0x3] =	sbarrier.arrive $0xFFFF  }
0x11c: {  	_ =	shalt  }

</sc_bundles>
